<compile_context>
chip_gen: v7x
topology: tpu7x:2x2x1
jax: 0.10.2.dev20260603
libtpu: 0.0.44.dev20260713+nightly
codegen_flags: <defaults>
</compile_context>

<pallas_src>
import functools

import jax
import jax.numpy as jnp
from jax import lax
from jax.experimental import pallas as pl
from jax.experimental.pallas import tpu as pltpu
from jax.experimental.pallas import tpu_sc as plsc

NC = 2
NS = 16
C = 128
CW = 128
V = 16


def _project(h, w, b, blk):
    n, d = h.shape

    def body(h_ref, w_ref, b_ref, o_ref):
        o_ref[...] = (
            jnp.dot(h_ref[...], w_ref[...], preferred_element_type=jnp.float32)
            + b_ref[...]
        )

    return pl.pallas_call(
        body,
        grid=(n // blk,),
        in_specs=[
            pl.BlockSpec((blk, d), lambda i: (i, 0)),
            pl.BlockSpec((d, d), lambda i: (0, 0)),
            pl.BlockSpec((1, d), lambda i: (0, 0)),
        ],
        out_specs=pl.BlockSpec((blk, d), lambda i: (i, 0)),
        out_shape=jax.ShapeDtypeStruct((n, d), jnp.float32),
    )(h, w, b.reshape(1, d))


def _sc_aggregate(hop_proj, hm_proj, srcE, dstE, z_acc, z_cnt,
                  ones_host, nh, nh_acc, kB, d):
    rps = nh_acc // NS
    mesh = plsc.VectorSubcoreMesh(core_axis_name="c", subcore_axis_name="s")

    @functools.partial(
        pl.kernel,
        out_type=[
            jax.ShapeDtypeStruct((3, NC, nh_acc, d), jnp.float32),
            jax.ShapeDtypeStruct((3, NC, nh_acc, CW), jnp.float32),
        ],
        mesh=mesh,
        scratch_types=[
            pltpu.VMEM_SHARED((nh_acc, d), jnp.float32),
            pltpu.VMEM_SHARED((nh_acc, CW), jnp.float32),
            pltpu.VMEM((C,), jnp.int32),
            pltpu.VMEM((C,), jnp.int32),
            pltpu.VMEM((C, d), jnp.float32),
            pltpu.VMEM((C, CW), jnp.float32),
            pltpu.SemaphoreType.DMA,
        ],
    )
    def agg(hop_hbm, hm_hbm, srcE_hbm, dstE_hbm,
            zacc_hbm, zcnt_hbm, ones_hbm, sums_hbm, cnts_hbm,
            acc, cnt, srcv, dstv, rows, ones, sem):
        cid = lax.axis_index("c")
        sid = lax.axis_index("s")
        base_row = cid * nh
        row_slc = pl.ds(sid * rps, rps)
        pltpu.sync_copy(ones_hbm, ones)
        for a in range(3):
            pltpu.sync_copy(zacc_hbm.at[row_slc], acc.at[row_slc])
            pltpu.sync_copy(zcnt_hbm.at[row_slc], cnt.at[row_slc])
            plsc.subcore_barrier()
            table = hop_hbm if a < 2 else hm_hbm
            base = (a * NS + sid) * (kB * C)

            def body(j, carry):
                off = base + j * C
                pltpu.sync_copy(srcE_hbm.at[pl.ds(off, C)], srcv)
                pltpu.sync_copy(dstE_hbm.at[pl.ds(off, C)], dstv)
                gather = pltpu.async_copy(table.at[srcv], rows, sem)
                for g in range(C // V):
                    u = dstv[pl.ds(g * V, V)] - base_row
                    keep = jnp.logical_and(u >= 0, u < nh)
                    dstv[pl.ds(g * V, V)] = jnp.where(keep, u, nh)
                gather.wait()
                pltpu.sync_copy(rows, acc.at[dstv], add=True)
                pltpu.sync_copy(ones, cnt.at[dstv], add=True)
                return carry

            lax.fori_loop(0, kB, body, 0)
            plsc.subcore_barrier()
            pltpu.sync_copy(acc.at[row_slc], sums_hbm.at[a, cid, row_slc])
            pltpu.sync_copy(cnt.at[row_slc], cnts_hbm.at[a, cid, row_slc])

    return agg(hop_proj, hm_proj, srcE, dstE, z_acc, z_cnt, ones_host)


def _combine(proj_op, proj_m, sums, cnts, nh, blk):
    n, d = proj_op.shape
    nb_core = nh // blk

    def body(po_ref, pm_ref, s_ref, c_ref, oop_ref, om_ref):
        s = s_ref[...]
        c = c_ref[...]

        def mean(a):
            deg = jnp.maximum(c[a, 0, :, :1], 1.0)
            return s[a, 0] / deg

        oop_ref[...] = jnp.maximum(po_ref[...] + mean(0) + mean(2), 0.0)
        om_ref[...] = jnp.maximum(pm_ref[...] + mean(1), 0.0)

    return pl.pallas_call(
        body,
        grid=(n // blk,),
        in_specs=[
            pl.BlockSpec((blk, d), lambda i: (i, 0)),
            pl.BlockSpec((blk, d), lambda i: (i, 0)),
            pl.BlockSpec((3, 1, blk, d),
                         lambda i: (0, i // nb_core, i % nb_core, 0)),
            pl.BlockSpec((3, 1, blk, CW),
                         lambda i: (0, i // nb_core, i % nb_core, 0)),
        ],
        out_specs=[
            pl.BlockSpec((blk, d), lambda i: (i, 0)),
            pl.BlockSpec((blk, d), lambda i: (i, 0)),
        ],
        out_shape=[
            jax.ShapeDtypeStruct((n, d), jnp.float32),
            jax.ShapeDtypeStruct((n, d), jnp.float32),
        ],
    )(proj_op, proj_m, sums, cnts)


def kernel(H_op, H_m, E_seq, E_op2m, W_op, b_op, W_m, b_m):
    n_op, d = H_op.shape
    n_m = H_m.shape[0]
    e = E_seq.shape[1]
    assert n_op == n_m, "accumulator sizing assumes equal node counts"
    n = n_op
    nh = n // NC

    kB = -(-(-(-e // NS)) // C)
    e_padB = NS * kB * C
    nh_acc = -(-(nh + 1) // (NS * 8)) * (NS * 8)

    hop_proj = _project(H_op, W_op, b_op, blk=400)
    hm_proj = _project(H_m, W_m, b_m, blk=400)

    def prepE(src, dst):
        src = src.astype(jnp.int32)
        dst = dst.astype(jnp.int32)
        pad = e_padB - e
        src = jnp.concatenate([src, jnp.zeros((pad,), jnp.int32)])
        dst = jnp.concatenate([dst, jnp.full((pad,), n, jnp.int32)])
        return src, dst

    se0, de0 = prepE(E_seq[0], E_seq[1])
    se1, de1 = prepE(E_op2m[0], E_op2m[1])
    se2, de2 = prepE(E_op2m[1], E_op2m[0])
    srcE = jnp.concatenate([se0, se1, se2])
    dstE = jnp.concatenate([de0, de1, de2])

    z_acc = jnp.zeros((nh_acc, d), jnp.float32)
    z_cnt = jnp.zeros((nh_acc, CW), jnp.float32)
    ones_host = jnp.ones((C, CW), jnp.float32)

    sums, cnts = _sc_aggregate(hop_proj, hm_proj, srcE, dstE,
                               z_acc, z_cnt, ones_host, nh, nh_acc, kB, d)
    return _combine(hop_proj, hm_proj, sums, cnts, nh, blk=1000)

# --- scband reference (transcript-rebuilt; emitter-appended) ---
"""Pipeline reference for scband-hetero-gcnlayer-10496900072192 (READ-ONLY COPY).

The authoritative reference and input builder live on the scoring server;
editing this copy changes nothing except your own understanding.
"""

import jax, jax.numpy as jnp
import numpy as np

N_OP = 10000
N_M = 10000
E = 320000
D = 128


def mean_aggregate(messages, dst_index, num_nodes):
    out = jax.ops.segment_sum(messages, dst_index, num_segments=num_nodes)
    deg = jnp.clip(jnp.bincount(dst_index, length=num_nodes), 1, None).astype(messages.dtype)[:, None]
    return out / deg


def setup_inputs(seed: int = 0) -> dict:
    key = jax.random.key(seed)
    k1, k2, k3, k4, k5, k6, k7, k8 = jax.random.split(key, 8)
    H_op = jax.random.normal(k1, (N_OP, D), dtype=jnp.float32)
    H_m = jax.random.normal(k2, (N_M, D), dtype=jnp.float32)
    E_seq = jax.random.randint(k3, (2, E), 0, N_OP, dtype=jnp.int64)
    E_op2m = jax.random.randint(k4, (2, E), 0, N_M, dtype=jnp.int64)
    # Linear layer params (torch nn.Linear equivalent): y = x @ W + b, W: [in, out]
    lim = 1.0 / np.sqrt(D)
    W_op = jax.random.uniform(k5, (D, D), dtype=jnp.float32, minval=-lim, maxval=lim)
    b_op = jax.random.uniform(k6, (D,), dtype=jnp.float32, minval=-lim, maxval=lim)
    W_m = jax.random.uniform(k7, (D, D), dtype=jnp.float32, minval=-lim, maxval=lim)
    b_m = jax.random.uniform(k8, (D,), dtype=jnp.float32, minval=-lim, maxval=lim)
    return {"H_op": H_op, "H_m": H_m, "E_seq": E_seq, "E_op2m": E_op2m,
            "W_op": W_op, "b_op": b_op, "W_m": W_m, "b_m": b_m}


def reference(H_op, H_m, E_seq, E_op2m, W_op, b_op, W_m, b_m):
    H_op_proj = H_op @ W_op + b_op
    H_m_proj = H_m @ W_m + b_m
    src, dst = E_seq[0], E_seq[1]
    msg_seq = H_op_proj[src]
    agg_seq_to_op = mean_aggregate(msg_seq, dst, H_op_proj.shape[0])
    src_op, dst_m = E_op2m[0], E_op2m[1]
    msg_op2m = H_op_proj[src_op]
    agg_to_m = mean_aggregate(msg_op2m, dst_m, H_m_proj.shape[0])
    msg_m2op = H_m_proj[dst_m]
    agg_to_op = mean_aggregate(msg_m2op, src_op, H_op_proj.shape[0])
    H_op_new = jax.nn.relu(H_op_proj + agg_seq_to_op + agg_to_op)
    H_m_new = jax.nn.relu(H_m_proj + agg_to_m)
    return (H_op_new, H_m_new)

if __name__ == "__main__":
    import jax
    _d = setup_inputs()
    print(jax.jit(kernel)(*tuple(_d.values())))

</pallas_src>

<mosaic_0001>
#map = affine_map<(d0, d1) -> (0, 0)>
#map1 = affine_map<(d0, d1) -> (0)>
#map2 = affine_map<(d0, d1) -> (0, 0, 0, 0)>
module attributes {stable_mosaic.version = 14 : i64} {
  func.func @agg(%arg0: i32, %arg1: i32, %arg2: memref<10000x128xf32, #tpu.memory_space<hbm>>, %arg3: memref<10000x128xf32, #tpu.memory_space<hbm>>, %arg4: memref<964608xi32, #tpu.memory_space<hbm>>, %arg5: memref<964608xi32, #tpu.memory_space<hbm>>, %arg6: memref<5120x128xf32, #tpu.memory_space<hbm>>, %arg7: memref<5120x128xf32, #tpu.memory_space<hbm>>, %arg8: memref<128x128xf32, #tpu.memory_space<hbm>>, %arg9: memref<3x2x5120x128xf32, #tpu.memory_space<hbm>>, %arg10: memref<3x2x5120x128xf32, #tpu.memory_space<hbm>>, %arg11: memref<5120x128xf32, #tpu.memory_space<vmem_shared>>, %arg12: memref<5120x128xf32, #tpu.memory_space<vmem_shared>>, %arg13: memref<128xi32, #tpu.memory_space<vmem>>, %arg14: memref<128xi32, #tpu.memory_space<vmem>>, %arg15: memref<128x128xf32, #tpu.memory_space<vmem>>, %arg16: memref<128x128xf32, #tpu.memory_space<vmem>>, %arg17: memref<!tpu.dma_semaphore, #tpu.memory_space<semaphore_mem>>) attributes {dimension_semantics = [#tpu.dimension_semantics<core_parallel>, #tpu.dimension_semantics<subcore_parallel>], iteration_bounds = array<i64: 2, 16>, scalar_prefetch = 0 : i64, scratch_operands = 7 : i64, tpu.core_type = #tpu.core_type<sc_vector_subcore>, window_params = [{transform_indices = #map}, {transform_indices = #map}, {transform_indices = #map1}, {transform_indices = #map1}, {transform_indices = #map}, {transform_indices = #map}, {transform_indices = #map}, {transform_indices = #map2}, {transform_indices = #map2}]} {
    %mul3A = arith.constant 5000 : i32
    %mul3A_0 = arith.muli %arg0, %mul3A : i32
    %mul3A_1 = arith.constant 320 : i32
    %mul3A_2 = arith.muli %arg1, %mul3A_1 : i32
    "tpu.region"() ({
      %run_scoped3A_41 = tpu.sem_alloc : memref<!tpu.dma_semaphore, #tpu.memory_space<semaphore_mem>>
      tpu.enqueue_dma source(%arg8 : memref<128x128xf32, #tpu.memory_space<hbm>>) target(%arg16 : memref<128x128xf32, #tpu.memory_space<vmem>>) target_semaphore(%run_scoped3A_41 : memref<!tpu.dma_semaphore, #tpu.memory_space<semaphore_mem>>)
      tpu.wait_dma2 semaphore(%run_scoped3A_41 : memref<!tpu.dma_semaphore, #tpu.memory_space<semaphore_mem>>) src(%arg8 : memref<128x128xf32, #tpu.memory_space<hbm>>) dst(%arg16 : memref<128x128xf32, #tpu.memory_space<vmem>>)
      tpu.yield
    }) : () -> ()
    "tpu.region"() ({
      %run_scoped3A_41 = tpu.sem_alloc : memref<!tpu.dma_semaphore, #tpu.memory_space<semaphore_mem>>
      %dma_start3A = arith.constant 0 : i32
      %dma_start3A_42 = tpu.memref_slice %arg11[%mul3A_2, %dma_start3A] : memref<5120x128xf32, #tpu.memory_space<vmem_shared>> -> memref<320x128xf32, #tpu.memory_space<vmem_shared>>
      %dma_start3A_43 = arith.constant 0 : i32
      %dma_start3A_44 = tpu.memref_slice %arg6[%mul3A_2, %dma_start3A_43] : memref<5120x128xf32, #tpu.memory_space<hbm>> -> memref<320x128xf32, #tpu.memory_space<hbm>>
      tpu.enqueue_dma source(%dma_start3A_44 : memref<320x128xf32, #tpu.memory_space<hbm>>) target(%dma_start3A_42 : memref<320x128xf32, #tpu.memory_space<vmem_shared>>) target_semaphore(%run_scoped3A_41 : memref<!tpu.dma_semaphore, #tpu.memory_space<semaphore_mem>>)
      %dma_wait3A = arith.constant 0 : i32
      %dma_wait3A_45 = tpu.memref_slice %arg11[%mul3A_2, %dma_wait3A] : memref<5120x128xf32, #tpu.memory_space<vmem_shared>> -> memref<320x128xf32, #tpu.memory_space<vmem_shared>>
      %dma_wait3A_46 = arith.constant 0 : i32
      %dma_wait3A_47 = tpu.memref_slice %arg6[%mul3A_2, %dma_wait3A_46] : memref<5120x128xf32, #tpu.memory_space<hbm>> -> memref<320x128xf32, #tpu.memory_space<hbm>>
      tpu.wait_dma2 semaphore(%run_scoped3A_41 : memref<!tpu.dma_semaphore, #tpu.memory_space<semaphore_mem>>) src(%dma_wait3A_47 : memref<320x128xf32, #tpu.memory_space<hbm>>) dst(%dma_wait3A_45 : memref<320x128xf32, #tpu.memory_space<vmem_shared>>)
      tpu.yield
    }) : () -> ()
    "tpu.region"() ({
      %run_scoped3A_41 = tpu.sem_alloc : memref<!tpu.dma_semaphore, #tpu.memory_space<semaphore_mem>>
      %dma_start3A = arith.constant 0 : i32
      %dma_start3A_42 = tpu.memref_slice %arg12[%mul3A_2, %dma_start3A] : memref<5120x128xf32, #tpu.memory_space<vmem_shared>> -> memref<320x128xf32, #tpu.memory_space<vmem_shared>>
      %dma_start3A_43 = arith.constant 0 : i32
      %dma_start3A_44 = tpu.memref_slice %arg7[%mul3A_2, %dma_start3A_43] : memref<5120x128xf32, #tpu.memory_space<hbm>> -> memref<320x128xf32, #tpu.memory_space<hbm>>
      tpu.enqueue_dma source(%dma_start3A_44 : memref<320x128xf32, #tpu.memory_space<hbm>>) target(%dma_start3A_42 : memref<320x128xf32, #tpu.memory_space<vmem_shared>>) target_semaphore(%run_scoped3A_41 : memref<!tpu.dma_semaphore, #tpu.memory_space<semaphore_mem>>)
      %dma_wait3A = arith.constant 0 : i32
      %dma_wait3A_45 = tpu.memref_slice %arg12[%mul3A_2, %dma_wait3A] : memref<5120x128xf32, #tpu.memory_space<vmem_shared>> -> memref<320x128xf32, #tpu.memory_space<vmem_shared>>
      %dma_wait3A_46 = arith.constant 0 : i32
      %dma_wait3A_47 = tpu.memref_slice %arg7[%mul3A_2, %dma_wait3A_46] : memref<5120x128xf32, #tpu.memory_space<hbm>> -> memref<320x128xf32, #tpu.memory_space<hbm>>
      tpu.wait_dma2 semaphore(%run_scoped3A_41 : memref<!tpu.dma_semaphore, #tpu.memory_space<semaphore_mem>>) src(%dma_wait3A_47 : memref<320x128xf32, #tpu.memory_space<hbm>>) dst(%dma_wait3A_45 : memref<320x128xf32, #tpu.memory_space<vmem_shared>>)
      tpu.yield
    }) : () -> ()
    %barrier3A = arith.constant 0 : index
    tpu.barrier barrier_id(%barrier3A)
    %add3A = arith.constant 0 : i32
    %add3A_3 = arith.addi %add3A, %arg1 : i32
    %mul3A_4 = arith.constant 20096 : i32
    %mul3A_5 = arith.muli %add3A_3, %mul3A_4 : i32
    %scan3A = arith.constant 0 : i32
    %scan3A_6 = arith.constant 0 : i32
    %scan3A_7 = arith.constant 157 : i32
    %scan3A_8 = arith.addi %scan3A_6, %scan3A_7 : i32
    %scan3A_9 = arith.constant 1 : i32
    scf.for %scan3A_41 = %scan3A_6 to %scan3A_8 step %scan3A_9  : i32 {
      %mul3A_42 = arith.constant 128 : i32
      %mul3A_43 = arith.muli %scan3A_41, %mul3A_42 : i32
      %add3A_44 = arith.addi %mul3A_5, %mul3A_43 : i32
      "tpu.region"() ({
        %run_scoped3A_192 = tpu.sem_alloc : memref<!tpu.dma_semaphore, #tpu.memory_space<semaphore_mem>>
        %dma_start3A_193 = tpu.memref_slice %arg4[%add3A_44] : memref<964608xi32, #tpu.memory_space<hbm>> -> memref<128xi32, #tpu.memory_space<hbm>>
        %dma_start3A_194 = tpu.memref_slice %arg4[%add3A_44] : memref<964608xi32, #tpu.memory_space<hbm>> -> memref<128xi32, #tpu.memory_space<hbm>>
        tpu.enqueue_dma source(%dma_start3A_194 : memref<128xi32, #tpu.memory_space<hbm>>) target(%arg13 : memref<128xi32, #tpu.memory_space<vmem>>) target_semaphore(%run_scoped3A_192 : memref<!tpu.dma_semaphore, #tpu.memory_space<semaphore_mem>>)
        %dma_wait3A_195 = tpu.memref_slice %arg4[%add3A_44] : memref<964608xi32, #tpu.memory_space<hbm>> -> memref<128xi32, #tpu.memory_space<hbm>>
        %dma_wait3A_196 = tpu.memref_slice %arg4[%add3A_44] : memref<964608xi32, #tpu.memory_space<hbm>> -> memref<128xi32, #tpu.memory_space<hbm>>
        tpu.wait_dma2 semaphore(%run_scoped3A_192 : memref<!tpu.dma_semaphore, #tpu.memory_space<semaphore_mem>>) src(%dma_wait3A_196 : memref<128xi32, #tpu.memory_space<hbm>>) dst(%arg13 : memref<128xi32, #tpu.memory_space<vmem>>)
        tpu.yield
      }) : () -> ()
      "tpu.region"() ({
        %run_scoped3A_192 = tpu.sem_alloc : memref<!tpu.dma_semaphore, #tpu.memory_space<semaphore_mem>>
        %dma_start3A_193 = tpu.memref_slice %arg5[%add3A_44] : memref<964608xi32, #tpu.memory_space<hbm>> -> memref<128xi32, #tpu.memory_space<hbm>>
        %dma_start3A_194 = tpu.memref_slice %arg5[%add3A_44] : memref<964608xi32, #tpu.memory_space<hbm>> -> memref<128xi32, #tpu.memory_space<hbm>>
        tpu.enqueue_dma source(%dma_start3A_194 : memref<128xi32, #tpu.memory_space<hbm>>) target(%arg14 : memref<128xi32, #tpu.memory_space<vmem>>) target_semaphore(%run_scoped3A_192 : memref<!tpu.dma_semaphore, #tpu.memory_space<semaphore_mem>>)
        %dma_wait3A_195 = tpu.memref_slice %arg5[%add3A_44] : memref<964608xi32, #tpu.memory_space<hbm>> -> memref<128xi32, #tpu.memory_space<hbm>>
        %dma_wait3A_196 = tpu.memref_slice %arg5[%add3A_44] : memref<964608xi32, #tpu.memory_space<hbm>> -> memref<128xi32, #tpu.memory_space<hbm>>
        tpu.wait_dma2 semaphore(%run_scoped3A_192 : memref<!tpu.dma_semaphore, #tpu.memory_space<semaphore_mem>>) src(%dma_wait3A_196 : memref<128xi32, #tpu.memory_space<hbm>>) dst(%arg14 : memref<128xi32, #tpu.memory_space<vmem>>)
        tpu.yield
      }) : () -> ()
      %dma_start3A = arith.constant 0 : i32
      %dma_start3A_45 = arith.constant 0 : i32
      %dma_start3A_46 = tpu.memref_slice %arg2[%dma_start3A, %dma_start3A_45] : memref<10000x128xf32, #tpu.memory_space<hbm>> -> memref<10000x128xf32, #tpu.memory_space<hbm>>
      tpu.enqueue_indirect_dma source(%dma_start3A_46 : memref<10000x128xf32, #tpu.memory_space<hbm>>) target(%arg15 : memref<128x128xf32, #tpu.memory_space<vmem>>) offsets(%arg13 : memref<128xi32, #tpu.memory_space<vmem>>) semaphore(%arg17 : memref<!tpu.dma_semaphore, #tpu.memory_space<semaphore_mem>>)
      %get3A = arith.constant 0 : index
      %get3A_47 = tpu.vector_load %arg14[%get3A] {strides = array<i32>} : memref<128xi32, #tpu.memory_space<vmem>>, vector<16xi32>,
      %get3A_48 = vector.shape_cast %get3A_47 : vector<16xi32> to vector<16xi32>
      %sub3A = vector.broadcast %mul3A_0 : i32 to vector<16xi32>
      %sub3A_49 = arith.subi %get3A_48, %sub3A : vector<16xi32>
      %ge3A = arith.constant 0 : i32
      %ge3A_50 = vector.broadcast %ge3A : i32 to vector<16xi32>
      %ge3A_51 = arith.cmpi sge, %sub3A_49, %ge3A_50 : vector<16xi32>
      %lt3A = arith.constant 5000 : i32
      %lt3A_52 = vector.broadcast %lt3A : i32 to vector<16xi32>
      %lt3A_53 = arith.cmpi slt, %sub3A_49, %lt3A_52 : vector<16xi32>
      %and3A = arith.andi %ge3A_51, %lt3A_53 : vector<16xi1>
      %jit3A = arith.constant 5000 : i32
      %broadcast_in_dim3A = vector.broadcast %jit3A : i32 to vector<16xi32>
      %select_n3A = arith.select %and3A, %sub3A_49, %broadcast_in_dim3A : vector<16xi1>, vector<16xi32>
      %swap3A = arith.constant 0 : index
      %swap3A_54 = tpu.vector_load %arg14[%swap3A] {strides = array<i32>} : memref<128xi32, #tpu.memory_space<vmem>>, vector<16xi32>,
      %swap3A_55 = vector.shape_cast %swap3A_54 : vector<16xi32> to vector<16xi32>
      %swap3A_56 = vector.shape_cast %select_n3A : vector<16xi32> to vector<16xi32>
      tpu.vector_store %arg14[%swap3A], %swap3A_56 {strides = array<i32>} : memref<128xi32, #tpu.memory_space<vmem>>, vector<16xi32>,
      %get3A_57 = arith.constant 16 : index
      %get3A_58 = tpu.vector_load %arg14[%get3A_57] {strides = array<i32>} : memref<128xi32, #tpu.memory_space<vmem>>, vector<16xi32>,
      %get3A_59 = vector.shape_cast %get3A_58 : vector<16xi32> to vector<16xi32>
      %sub3A_60 = vector.broadcast %mul3A_0 : i32 to vector<16xi32>
      %sub3A_61 = arith.subi %get3A_59, %sub3A_60 : vector<16xi32>
      %ge3A_62 = arith.constant 0 : i32
      %ge3A_63 = vector.broadcast %ge3A_62 : i32 to vector<16xi32>
      %ge3A_64 = arith.cmpi sge, %sub3A_61, %ge3A_63 : vector<16xi32>
      %lt3A_65 = arith.constant 5000 : i32
      %lt3A_66 = vector.broadcast %lt3A_65 : i32 to vector<16xi32>
      %lt3A_67 = arith.cmpi slt, %sub3A_61, %lt3A_66 : vector<16xi32>
      %and3A_68 = arith.andi %ge3A_64, %lt3A_67 : vector<16xi1>
      %jit3A_69 = arith.constant 5000 : i32
      %broadcast_in_dim3A_70 = vector.broadcast %jit3A_69 : i32 to vector<16xi32>
      %select_n3A_71 = arith.select %and3A_68, %sub3A_61, %broadcast_in_dim3A_70 : vector<16xi1>, vector<16xi32>
      %swap3A_72 = arith.constant 16 : index
      %swap3A_73 = tpu.vector_load %arg14[%swap3A_72] {strides = array<i32>} : memref<128xi32, #tpu.memory_space<vmem>>, vector<16xi32>,
      %swap3A_74 = vector.shape_cast %swap3A_73 : vector<16xi32> to vector<16xi32>
      %swap3A_75 = vector.shape_cast %select_n3A_71 : vector<16xi32> to vector<16xi32>
      tpu.vector_store %arg14[%swap3A_72], %swap3A_75 {strides = array<i32>} : memref<128xi32, #tpu.memory_space<vmem>>, vector<16xi32>,
      %get3A_76 = arith.constant 32 : index
      %get3A_77 = tpu.vector_load %arg14[%get3A_76] {strides = array<i32>} : memref<128xi32, #tpu.memory_space<vmem>>, vector<16xi32>,
      %get3A_78 = vector.shape_cast %get3A_77 : vector<16xi32> to vector<16xi32>
      %sub3A_79 = vector.broadcast %mul3A_0 : i32 to vector<16xi32>
      %sub3A_80 = arith.subi %get3A_78, %sub3A_79 : vector<16xi32>
      %ge3A_81 = arith.constant 0 : i32
      %ge3A_82 = vector.broadcast %ge3A_81 : i32 to vector<16xi32>
      %ge3A_83 = arith.cmpi sge, %sub3A_80, %ge3A_82 : vector<16xi32>
      %lt3A_84 = arith.constant 5000 : i32
      %lt3A_85 = vector.broadcast %lt3A_84 : i32 to vector<16xi32>
      %lt3A_86 = arith.cmpi slt, %sub3A_80, %lt3A_85 : vector<16xi32>
      %and3A_87 = arith.andi %ge3A_83, %lt3A_86 : vector<16xi1>
      %jit3A_88 = arith.constant 5000 : i32
      %broadcast_in_dim3A_89 = vector.broadcast %jit3A_88 : i32 to vector<16xi32>
      %select_n3A_90 = arith.select %and3A_87, %sub3A_80, %broadcast_in_dim3A_89 : vector<16xi1>, vector<16xi32>
      %swap3A_91 = arith.constant 32 : index
      %swap3A_92 = tpu.vector_load %arg14[%swap3A_91] {strides = array<i32>} : memref<128xi32, #tpu.memory_space<vmem>>, vector<16xi32>,
      %swap3A_93 = vector.shape_cast %swap3A_92 : vector<16xi32> to vector<16xi32>
      %swap3A_94 = vector.shape_cast %select_n3A_90 : vector<16xi32> to vector<16xi32>
      tpu.vector_store %arg14[%swap3A_91], %swap3A_94 {strides = array<i32>} : memref<128xi32, #tpu.memory_space<vmem>>, vector<16xi32>,
      %get3A_95 = arith.constant 48 : index
      %get3A_96 = tpu.vector_load %arg14[%get3A_95] {strides = array<i32>} : memref<128xi32, #tpu.memory_space<vmem>>, vector<16xi32>,
      %get3A_97 = vector.shape_cast %get3A_96 : vector<16xi32> to vector<16xi32>
      %sub3A_98 = vector.broadcast %mul3A_0 : i32 to vector<16xi32>
      %sub3A_99 = arith.subi %get3A_97, %sub3A_98 : vector<16xi32>
      %ge3A_100 = arith.constant 0 : i32
      %ge3A_101 = vector.broadcast %ge3A_100 : i32 to vector<16xi32>
      %ge3A_102 = arith.cmpi sge, %sub3A_99, %ge3A_101 : vector<16xi32>
      %lt3A_103 = arith.constant 5000 : i32
      %lt3A_104 = vector.broadcast %lt3A_103 : i32 to vector<16xi32>
      %lt3A_105 = arith.cmpi slt, %sub3A_99, %lt3A_104 : vector<16xi32>
      %and3A_106 = arith.andi %ge3A_102, %lt3A_105 : vector<16xi1>
      %jit3A_107 = arith.constant 5000 : i32
      %broadcast_in_dim3A_108 = vector.broadcast %jit3A_107 : i32 to vector<16xi32>
      %select_n3A_109 = arith.select %and3A_106, %sub3A_99, %broadcast_in_dim3A_108 : vector<16xi1>, vector<16xi32>
      %swap3A_110 = arith.constant 48 : index
      %swap3A_111 = tpu.vector_load %arg14[%swap3A_110] {strides = array<i32>} : memref<128xi32, #tpu.memory_space<vmem>>, vector<16xi32>,
      %swap3A_112 = vector.shape_cast %swap3A_111 : vector<16xi32> to vector<16xi32>
      %swap3A_113 = vector.shape_cast %select_n3A_109 : vector<16xi32> to vector<16xi32>
      tpu.vector_store %arg14[%swap3A_110], %swap3A_113 {strides = array<i32>} : memref<128xi32, #tpu.memory_space<vmem>>, vector<16xi32>,
      %get3A_114 = arith.constant 64 : index
      %get3A_115 = tpu.vector_load %arg14[%get3A_114] {strides = array<i32>} : memref<128xi32, #tpu.memory_space<vmem>>, vector<16xi32>,
      %get3A_116 = vector.shape_cast %get3A_115 : vector<16xi32> to vector<16xi32>
      %sub3A_117 = vector.broadcast %mul3A_0 : i32 to vector<16xi32>
      %sub3A_118 = arith.subi %get3A_116, %sub3A_117 : vector<16xi32>
      %ge3A_119 = arith.constant 0 : i32
      %ge3A_120 = vector.broadcast %ge3A_119 : i32 to vector<16xi32>
      %ge3A_121 = arith.cmpi sge, %sub3A_118, %ge3A_120 : vector<16xi32>
      %lt3A_122 = arith.constant 5000 : i32
      %lt3A_123 = vector.broadcast %lt3A_122 : i32 to vector<16xi32>
      %lt3A_124 = arith.cmpi slt, %sub3A_118, %lt3A_123 : vector<16xi32>
      %and3A_125 = arith.andi %ge3A_121, %lt3A_124 : vector<16xi1>
      %jit3A_126 = arith.constant 5000 : i32
      %broadcast_in_dim3A_127 = vector.broadcast %jit3A_126 : i32 to vector<16xi32>
      %select_n3A_128 = arith.select %and3A_125, %sub3A_118, %broadcast_in_dim3A_127 : vector<16xi1>, vector<16xi32>
      %swap3A_129 = arith.constant 64 : index
      %swap3A_130 = tpu.vector_load %arg14[%swap3A_129] {strides = array<i32>} : memref<128xi32, #tpu.memory_space<vmem>>, vector<16xi32>,
      %swap3A_131 = vector.shape_cast %swap3A_130 : vector<16xi32> to vector<16xi32>
      %swap3A_132 = vector.shape_cast %select_n3A_128 : vector<16xi32> to vector<16xi32>
      tpu.vector_store %arg14[%swap3A_129], %swap3A_132 {strides = array<i32>} : memref<128xi32, #tpu.memory_space<vmem>>, vector<16xi32>,
      %get3A_133 = arith.constant 80 : index
      %get3A_134 = tpu.vector_load %arg14[%get3A_133] {strides = array<i32>} : memref<128xi32, #tpu.memory_space<vmem>>, vector<16xi32>,
      %get3A_135 = vector.shape_cast %get3A_134 : vector<16xi32> to vector<16xi32>
      %sub3A_136 = vector.broadcast %mul3A_0 : i32 to vector<16xi32>
      %sub3A_137 = arith.subi %get3A_135, %sub3A_136 : vector<16xi32>
      %ge3A_138 = arith.constant 0 : i32
      %ge3A_139 = vector.broadcast %ge3A_138 : i32 to vector<16xi32>
      %ge3A_140 = arith.cmpi sge, %sub3A_137, %ge3A_139 : vector<16xi32>
      %lt3A_141 = arith.constant 5000 : i32
      %lt3A_142 = vector.broadcast %lt3A_141 : i32 to vector<16xi32>
      %lt3A_143 = arith.cmpi slt, %sub3A_137, %lt3A_142 : vector<16xi32>
      %and3A_144 = arith.andi %ge3A_140, %lt3A_143 : vector<16xi1>
      %jit3A_145 = arith.constant 5000 : i32
      %broadcast_in_dim3A_146 = vector.broadcast %jit3A_145 : i32 to vector<16xi32>
      %select_n3A_147 = arith.select %and3A_144, %sub3A_137, %broadcast_in_dim3A_146 : vector<16xi1>, vector<16xi32>
      %swap3A_148 = arith.constant 80 : index
      %swap3A_149 = tpu.vector_load %arg14[%swap3A_148] {strides = array<i32>} : memref<128xi32, #tpu.memory_space<vmem>>, vector<16xi32>,
      %swap3A_150 = vector.shape_cast %swap3A_149 : vector<16xi32> to vector<16xi32>
      %swap3A_151 = vector.shape_cast %select_n3A_147 : vector<16xi32> to vector<16xi32>
      tpu.vector_store %arg14[%swap3A_148], %swap3A_151 {strides = array<i32>} : memref<128xi32, #tpu.memory_space<vmem>>, vector<16xi32>,
      %get3A_152 = arith.constant 96 : index
      %get3A_153 = tpu.vector_load %arg14[%get3A_152] {strides = array<i32>} : memref<128xi32, #tpu.memory_space<vmem>>, vector<16xi32>,
      %get3A_154 = vector.shape_cast %get3A_153 : vector<16xi32> to vector<16xi32>
      %sub3A_155 = vector.broadcast %mul3A_0 : i32 to vector<16xi32>
      %sub3A_156 = arith.subi %get3A_154, %sub3A_155 : vector<16xi32>
      %ge3A_157 = arith.constant 0 : i32
      %ge3A_158 = vector.broadcast %ge3A_157 : i32 to vector<16xi32>
      %ge3A_159 = arith.cmpi sge, %sub3A_156, %ge3A_158 : vector<16xi32>
      %lt3A_160 = arith.constant 5000 : i32
      %lt3A_161 = vector.broadcast %lt3A_160 : i32 to vector<16xi32>
      %lt3A_162 = arith.cmpi slt, %sub3A_156, %lt3A_161 : vector<16xi32>
      %and3A_163 = arith.andi %ge3A_159, %lt3A_162 : vector<16xi1>
      %jit3A_164 = arith.constant 5000 : i32
      %broadcast_in_dim3A_165 = vector.broadcast %jit3A_164 : i32 to vector<16xi32>
      %select_n3A_166 = arith.select %and3A_163, %sub3A_156, %broadcast_in_dim3A_165 : vector<16xi1>, vector<16xi32>
      %swap3A_167 = arith.constant 96 : index
      %swap3A_168 = tpu.vector_load %arg14[%swap3A_167] {strides = array<i32>} : memref<128xi32, #tpu.memory_space<vmem>>, vector<16xi32>,
      %swap3A_169 = vector.shape_cast %swap3A_168 : vector<16xi32> to vector<16xi32>
      %swap3A_170 = vector.shape_cast %select_n3A_166 : vector<16xi32> to vector<16xi32>
      tpu.vector_store %arg14[%swap3A_167], %swap3A_170 {strides = array<i32>} : memref<128xi32, #tpu.memory_space<vmem>>, vector<16xi32>,
      %get3A_171 = arith.constant 112 : index
      %get3A_172 = tpu.vector_load %arg14[%get3A_171] {strides = array<i32>} : memref<128xi32, #tpu.memory_space<vmem>>, vector<16xi32>,
      %get3A_173 = vector.shape_cast %get3A_172 : vector<16xi32> to vector<16xi32>
      %sub3A_174 = vector.broadcast %mul3A_0 : i32 to vector<16xi32>
      %sub3A_175 = arith.subi %get3A_173, %sub3A_174 : vector<16xi32>
      %ge3A_176 = arith.constant 0 : i32
      %ge3A_177 = vector.broadcast %ge3A_176 : i32 to vector<16xi32>
      %ge3A_178 = arith.cmpi sge, %sub3A_175, %ge3A_177 : vector<16xi32>
      %lt3A_179 = arith.constant 5000 : i32
      %lt3A_180 = vector.broadcast %lt3A_179 : i32 to vector<16xi32>
      %lt3A_181 = arith.cmpi slt, %sub3A_175, %lt3A_180 : vector<16xi32>
      %and3A_182 = arith.andi %ge3A_178, %lt3A_181 : vector<16xi1>
      %jit3A_183 = arith.constant 5000 : i32
      %broadcast_in_dim3A_184 = vector.broadcast %jit3A_183 : i32 to vector<16xi32>
      %select_n3A_185 = arith.select %and3A_182, %sub3A_175, %broadcast_in_dim3A_184 : vector<16xi1>, vector<16xi32>
      %swap3A_186 = arith.constant 112 : index
      %swap3A_187 = tpu.vector_load %arg14[%swap3A_186] {strides = array<i32>} : memref<128xi32, #tpu.memory_space<vmem>>, vector<16xi32>,
      %swap3A_188 = vector.shape_cast %swap3A_187 : vector<16xi32> to vector<16xi32>
      %swap3A_189 = vector.shape_cast %select_n3A_185 : vector<16xi32> to vector<16xi32>
      tpu.vector_store %arg14[%swap3A_186], %swap3A_189 {strides = array<i32>} : memref<128xi32, #tpu.memory_space<vmem>>, vector<16xi32>,
      %dma_wait3A = arith.constant 0 : i32
      %dma_wait3A_190 = arith.constant 0 : i32
      %dma_wait3A_191 = tpu.memref_slice %arg2[%dma_wait3A, %dma_wait3A_190] : memref<10000x128xf32, #tpu.memory_space<hbm>> -> memref<10000x128xf32, #tpu.memory_space<hbm>>
      tpu.wait_indirect_dma semaphore(%arg17 : memref<!tpu.dma_semaphore, #tpu.memory_space<semaphore_mem>>) src(%dma_wait3A_191 : memref<10000x128xf32, #tpu.memory_space<hbm>>) dst(%arg15 : memref<128x128xf32, #tpu.memory_space<vmem>>)
      "tpu.region"() ({
        %run_scoped3A_192 = tpu.sem_alloc : memref<!tpu.dma_semaphore, #tpu.memory_space<semaphore_mem>>
        %dma_start3A_193 = arith.constant 0 : i32
        %dma_start3A_194 = arith.constant 0 : i32
        %dma_start3A_195 = tpu.memref_slice %arg11[%dma_start3A_193, %dma_start3A_194] : memref<5120x128xf32, #tpu.memory_space<vmem_shared>> -> memref<5120x128xf32, #tpu.memory_space<vmem_shared>>
        tpu.enqueue_indirect_dma source(%arg15 : memref<128x128xf32, #tpu.memory_space<vmem>>) target(%dma_start3A_195 : memref<5120x128xf32, #tpu.memory_space<vmem_shared>>) offsets(%arg14 : memref<128xi32, #tpu.memory_space<vmem>>) semaphore(%run_scoped3A_192 : memref<!tpu.dma_semaphore, #tpu.memory_space<semaphore_mem>>) {add = true}
        %dma_wait3A_196 = arith.constant 0 : i32
        %dma_wait3A_197 = arith.constant 0 : i32
        %dma_wait3A_198 = tpu.memref_slice %arg11[%dma_wait3A_196, %dma_wait3A_197] : memref<5120x128xf32, #tpu.memory_space<vmem_shared>> -> memref<5120x128xf32, #tpu.memory_space<vmem_shared>>
        tpu.wait_indirect_dma semaphore(%run_scoped3A_192 : memref<!tpu.dma_semaphore, #tpu.memory_space<semaphore_mem>>) src(%arg15 : memref<128x128xf32, #tpu.memory_space<vmem>>) dst(%dma_wait3A_198 : memref<5120x128xf32, #tpu.memory_space<vmem_shared>>)
        tpu.yield
      }) : () -> ()
      "tpu.region"() ({
        %run_scoped3A_192 = tpu.sem_alloc : memref<!tpu.dma_semaphore, #tpu.memory_space<semaphore_mem>>
        %dma_start3A_193 = arith.constant 0 : i32
        %dma_start3A_194 = arith.constant 0 : i32
        %dma_start3A_195 = tpu.memref_slice %arg12[%dma_start3A_193, %dma_start3A_194] : memref<5120x128xf32, #tpu.memory_space<vmem_shared>> -> memref<5120x128xf32, #tpu.memory_space<vmem_shared>>
        tpu.enqueue_indirect_dma source(%arg16 : memref<128x128xf32, #tpu.memory_space<vmem>>) target(%dma_start3A_195 : memref<5120x128xf32, #tpu.memory_space<vmem_shared>>) offsets(%arg14 : memref<128xi32, #tpu.memory_space<vmem>>) semaphore(%run_scoped3A_192 : memref<!tpu.dma_semaphore, #tpu.memory_space<semaphore_mem>>) {add = true}
        %dma_wait3A_196 = arith.constant 0 : i32
        %dma_wait3A_197 = arith.constant 0 : i32
        %dma_wait3A_198 = tpu.memref_slice %arg12[%dma_wait3A_196, %dma_wait3A_197] : memref<5120x128xf32, #tpu.memory_space<vmem_shared>> -> memref<5120x128xf32, #tpu.memory_space<vmem_shared>>
        tpu.wait_indirect_dma semaphore(%run_scoped3A_192 : memref<!tpu.dma_semaphore, #tpu.memory_space<semaphore_mem>>) src(%arg16 : memref<128x128xf32, #tpu.memory_space<vmem>>) dst(%dma_wait3A_198 : memref<5120x128xf32, #tpu.memory_space<vmem_shared>>)
        tpu.yield
      }) : () -> ()
    }
    %scan3A_10 = arith.constant 157 : i32
    %barrier3A_11 = arith.constant 0 : index
    tpu.barrier barrier_id(%barrier3A_11)
    %run_scoped3A = arith.constant 0 : i32
    "tpu.region"() ({
      %run_scoped3A_41 = tpu.sem_alloc : memref<!tpu.dma_semaphore, #tpu.memory_space<semaphore_mem>>
      %dma_start3A = arith.constant 0 : i32
      %dma_start3A_42 = tpu.memref_slice %arg9[%run_scoped3A, %arg0, %mul3A_2, %dma_start3A] : memref<3x2x5120x128xf32, #tpu.memory_space<hbm>> -> memref<1x1x320x128xf32, #tpu.memory_space<hbm>>
      %dma_start3A_43 = tpu.memref_squeeze %dma_start3A_42 : memref<1x1x320x128xf32, #tpu.memory_space<hbm>> -> memref<320x128xf32, #tpu.memory_space<hbm>>
      %dma_start3A_44 = arith.constant 0 : i32
      %dma_start3A_45 = tpu.memref_slice %arg11[%mul3A_2, %dma_start3A_44] : memref<5120x128xf32, #tpu.memory_space<vmem_shared>> -> memref<320x128xf32, #tpu.memory_space<vmem_shared>>
      tpu.enqueue_dma source(%dma_start3A_45 : memref<320x128xf32, #tpu.memory_space<vmem_shared>>) target(%dma_start3A_43 : memref<320x128xf32, #tpu.memory_space<hbm>>) target_semaphore(%run_scoped3A_41 : memref<!tpu.dma_semaphore, #tpu.memory_space<semaphore_mem>>)
      %dma_wait3A = arith.constant 0 : i32
      %dma_wait3A_46 = tpu.memref_slice %arg9[%run_scoped3A, %arg0, %mul3A_2, %dma_wait3A] : memref<3x2x5120x128xf32, #tpu.memory_space<hbm>> -> memref<1x1x320x128xf32, #tpu.memory_space<hbm>>
      %dma_wait3A_47 = tpu.memref_squeeze %dma_wait3A_46 : memref<1x1x320x128xf32, #tpu.memory_space<hbm>> -> memref<320x128xf32, #tpu.memory_space<hbm>>
      %dma_wait3A_48 = arith.constant 0 : i32
      %dma_wait3A_49 = tpu.memref_slice %arg11[%mul3A_2, %dma_wait3A_48] : memref<5120x128xf32, #tpu.memory_space<vmem_shared>> -> memref<320x128xf32, #tpu.memory_space<vmem_shared>>
      tpu.wait_dma2 semaphore(%run_scoped3A_41 : memref<!tpu.dma_semaphore, #tpu.memory_space<semaphore_mem>>) src(%dma_wait3A_49 : memref<320x128xf32, #tpu.memory_space<vmem_shared>>) dst(%dma_wait3A_47 : memref<320x128xf32, #tpu.memory_space<hbm>>)
      tpu.yield
    }) : () -> ()
    %run_scoped3A_12 = arith.constant 0 : i32
    "tpu.region"() ({
      %run_scoped3A_41 = tpu.sem_alloc : memref<!tpu.dma_semaphore, #tpu.memory_space<semaphore_mem>>
      %dma_start3A = arith.constant 0 : i32
      %dma_start3A_42 = tpu.memref_slice %arg10[%run_scoped3A_12, %arg0, %mul3A_2, %dma_start3A] : memref<3x2x5120x128xf32, #tpu.memory_space<hbm>> -> memref<1x1x320x128xf32, #tpu.memory_space<hbm>>
      %dma_start3A_43 = tpu.memref_squeeze %dma_start3A_42 : memref<1x1x320x128xf32, #tpu.memory_space<hbm>> -> memref<320x128xf32, #tpu.memory_space<hbm>>
      %dma_start3A_44 = arith.constant 0 : i32
      %dma_start3A_45 = tpu.memref_slice %arg12[%mul3A_2, %dma_start3A_44] : memref<5120x128xf32, #tpu.memory_space<vmem_shared>> -> memref<320x128xf32, #tpu.memory_space<vmem_shared>>
      tpu.enqueue_dma source(%dma_start3A_45 : memref<320x128xf32, #tpu.memory_space<vmem_shared>>) target(%dma_start3A_43 : memref<320x128xf32, #tpu.memory_space<hbm>>) target_semaphore(%run_scoped3A_41 : memref<!tpu.dma_semaphore, #tpu.memory_space<semaphore_mem>>)
      %dma_wait3A = arith.constant 0 : i32
      %dma_wait3A_46 = tpu.memref_slice %arg10[%run_scoped3A_12, %arg0, %mul3A_2, %dma_wait3A] : memref<3x2x5120x128xf32, #tpu.memory_space<hbm>> -> memref<1x1x320x128xf32, #tpu.memory_space<hbm>>
      %dma_wait3A_47 = tpu.memref_squeeze %dma_wait3A_46 : memref<1x1x320x128xf32, #tpu.memory_space<hbm>> -> memref<320x128xf32, #tpu.memory_space<hbm>>
      %dma_wait3A_48 = arith.constant 0 : i32
      %dma_wait3A_49 = tpu.memref_slice %arg12[%mul3A_2, %dma_wait3A_48] : memref<5120x128xf32, #tpu.memory_space<vmem_shared>> -> memref<320x128xf32, #tpu.memory_space<vmem_shared>>
      tpu.wait_dma2 semaphore(%run_scoped3A_41 : memref<!tpu.dma_semaphore, #tpu.memory_space<semaphore_mem>>) src(%dma_wait3A_49 : memref<320x128xf32, #tpu.memory_space<vmem_shared>>) dst(%dma_wait3A_47 : memref<320x128xf32, #tpu.memory_space<hbm>>)
      tpu.yield
    }) : () -> ()
    "tpu.region"() ({
      %run_scoped3A_41 = tpu.sem_alloc : memref<!tpu.dma_semaphore, #tpu.memory_space<semaphore_mem>>
      %dma_start3A = arith.constant 0 : i32
      %dma_start3A_42 = tpu.memref_slice %arg11[%mul3A_2, %dma_start3A] : memref<5120x128xf32, #tpu.memory_space<vmem_shared>> -> memref<320x128xf32, #tpu.memory_space<vmem_shared>>
      %dma_start3A_43 = arith.constant 0 : i32
      %dma_start3A_44 = tpu.memref_slice %arg6[%mul3A_2, %dma_start3A_43] : memref<5120x128xf32, #tpu.memory_space<hbm>> -> memref<320x128xf32, #tpu.memory_space<hbm>>
      tpu.enqueue_dma source(%dma_start3A_44 : memref<320x128xf32, #tpu.memory_space<hbm>>) target(%dma_start3A_42 : memref<320x128xf32, #tpu.memory_space<vmem_shared>>) target_semaphore(%run_scoped3A_41 : memref<!tpu.dma_semaphore, #tpu.memory_space<semaphore_mem>>)
      %dma_wait3A = arith.constant 0 : i32
      %dma_wait3A_45 = tpu.memref_slice %arg11[%mul3A_2, %dma_wait3A] : memref<5120x128xf32, #tpu.memory_space<vmem_shared>> -> memref<320x128xf32, #tpu.memory_space<vmem_shared>>
      %dma_wait3A_46 = arith.constant 0 : i32
      %dma_wait3A_47 = tpu.memref_slice %arg6[%mul3A_2, %dma_wait3A_46] : memref<5120x128xf32, #tpu.memory_space<hbm>> -> memref<320x128xf32, #tpu.memory_space<hbm>>
      tpu.wait_dma2 semaphore(%run_scoped3A_41 : memref<!tpu.dma_semaphore, #tpu.memory_space<semaphore_mem>>) src(%dma_wait3A_47 : memref<320x128xf32, #tpu.memory_space<hbm>>) dst(%dma_wait3A_45 : memref<320x128xf32, #tpu.memory_space<vmem_shared>>)
      tpu.yield
    }) : () -> ()
    "tpu.region"() ({
      %run_scoped3A_41 = tpu.sem_alloc : memref<!tpu.dma_semaphore, #tpu.memory_space<semaphore_mem>>
      %dma_start3A = arith.constant 0 : i32
      %dma_start3A_42 = tpu.memref_slice %arg12[%mul3A_2, %dma_start3A] : memref<5120x128xf32, #tpu.memory_space<vmem_shared>> -> memref<320x128xf32, #tpu.memory_space<vmem_shared>>
      %dma_start3A_43 = arith.constant 0 : i32
      %dma_start3A_44 = tpu.memref_slice %arg7[%mul3A_2, %dma_start3A_43] : memref<5120x128xf32, #tpu.memory_space<hbm>> -> memref<320x128xf32, #tpu.memory_space<hbm>>
      tpu.enqueue_dma source(%dma_start3A_44 : memref<320x128xf32, #tpu.memory_space<hbm>>) target(%dma_start3A_42 : memref<320x128xf32, #tpu.memory_space<vmem_shared>>) target_semaphore(%run_scoped3A_41 : memref<!tpu.dma_semaphore, #tpu.memory_space<semaphore_mem>>)
      %dma_wait3A = arith.constant 0 : i32
      %dma_wait3A_45 = tpu.memref_slice %arg12[%mul3A_2, %dma_wait3A] : memref<5120x128xf32, #tpu.memory_space<vmem_shared>> -> memref<320x128xf32, #tpu.memory_space<vmem_shared>>
      %dma_wait3A_46 = arith.constant 0 : i32
      %dma_wait3A_47 = tpu.memref_slice %arg7[%mul3A_2, %dma_wait3A_46] : memref<5120x128xf32, #tpu.memory_space<hbm>> -> memref<320x128xf32, #tpu.memory_space<hbm>>
      tpu.wait_dma2 semaphore(%run_scoped3A_41 : memref<!tpu.dma_semaphore, #tpu.memory_space<semaphore_mem>>) src(%dma_wait3A_47 : memref<320x128xf32, #tpu.memory_space<hbm>>) dst(%dma_wait3A_45 : memref<320x128xf32, #tpu.memory_space<vmem_shared>>)
      tpu.yield
    }) : () -> ()
    %barrier3A_13 = arith.constant 0 : index
    tpu.barrier barrier_id(%barrier3A_13)
    %add3A_14 = arith.constant 16 : i32
    %add3A_15 = arith.addi %add3A_14, %arg1 : i32
    %mul3A_16 = arith.constant 20096 : i32
    %mul3A_17 = arith.muli %add3A_15, %mul3A_16 : i32
    %scan3A_18 = arith.constant 0 : i32
    %scan3A_19 = arith.constant 0 : i32
    %scan3A_20 = arith.constant 157 : i32
    %scan3A_21 = arith.addi %scan3A_19, %scan3A_20 : i32
    %scan3A_22 = arith.constant 1 : i32
    scf.for %scan3A_41 = %scan3A_19 to %scan3A_21 step %scan3A_22  : i32 {
      %mul3A_42 = arith.constant 128 : i32
      %mul3A_43 = arith.muli %scan3A_41, %mul3A_42 : i32
      %add3A_44 = arith.addi %mul3A_17, %mul3A_43 : i32
      "tpu.region"() ({
        %run_scoped3A_192 = tpu.sem_alloc : memref<!tpu.dma_semaphore, #tpu.memory_space<semaphore_mem>>
        %dma_start3A_193 = tpu.memref_slice %arg4[%add3A_44] : memref<964608xi32, #tpu.memory_space<hbm>> -> memref<128xi32, #tpu.memory_space<hbm>>
        %dma_start3A_194 = tpu.memref_slice %arg4[%add3A_44] : memref<964608xi32, #tpu.memory_space<hbm>> -> memref<128xi32, #tpu.memory_space<hbm>>
        tpu.enqueue_dma source(%dma_start3A_194 : memref<128xi32, #tpu.memory_space<hbm>>) target(%arg13 : memref<128xi32, #tpu.memory_space<vmem>>) target_semaphore(%run_scoped3A_192 : memref<!tpu.dma_semaphore, #tpu.memory_space<semaphore_mem>>)
        %dma_wait3A_195 = tpu.memref_slice %arg4[%add3A_44] : memref<964608xi32, #tpu.memory_space<hbm>> -> memref<128xi32, #tpu.memory_space<hbm>>
        %dma_wait3A_196 = tpu.memref_slice %arg4[%add3A_44] : memref<964608xi32, #tpu.memory_space<hbm>> -> memref<128xi32, #tpu.memory_space<hbm>>
        tpu.wait_dma2 semaphore(%run_scoped3A_192 : memref<!tpu.dma_semaphore, #tpu.memory_space<semaphore_mem>>) src(%dma_wait3A_196 : memref<128xi32, #tpu.memory_space<hbm>>) dst(%arg13 : memref<128xi32, #tpu.memory_space<vmem>>)
        tpu.yield
      }) : () -> ()
      "tpu.region"() ({
        %run_scoped3A_192 = tpu.sem_alloc : memref<!tpu.dma_semaphore, #tpu.memory_space<semaphore_mem>>
        %dma_start3A_193 = tpu.memref_slice %arg5[%add3A_44] : memref<964608xi32, #tpu.memory_space<hbm>> -> memref<128xi32, #tpu.memory_space<hbm>>
        %dma_start3A_194 = tpu.memref_slice %arg5[%add3A_44] : memref<964608xi32, #tpu.memory_space<hbm>> -> memref<128xi32, #tpu.memory_space<hbm>>
        tpu.enqueue_dma source(%dma_start3A_194 : memref<128xi32, #tpu.memory_space<hbm>>) target(%arg14 : memref<128xi32, #tpu.memory_space<vmem>>) target_semaphore(%run_scoped3A_192 : memref<!tpu.dma_semaphore, #tpu.memory_space<semaphore_mem>>)
        %dma_wait3A_195 = tpu.memref_slice %arg5[%add3A_44] : memref<964608xi32, #tpu.memory_space<hbm>> -> memref<128xi32, #tpu.memory_space<hbm>>
        %dma_wait3A_196 = tpu.memref_slice %arg5[%add3A_44] : memref<964608xi32, #tpu.memory_space<hbm>> -> memref<128xi32, #tpu.memory_space<hbm>>
        tpu.wait_dma2 semaphore(%run_scoped3A_192 : memref<!tpu.dma_semaphore, #tpu.memory_space<semaphore_mem>>) src(%dma_wait3A_196 : memref<128xi32, #tpu.memory_space<hbm>>) dst(%arg14 : memref<128xi32, #tpu.memory_space<vmem>>)
        tpu.yield
      }) : () -> ()
      %dma_start3A = arith.constant 0 : i32
      %dma_start3A_45 = arith.constant 0 : i32
      %dma_start3A_46 = tpu.memref_slice %arg2[%dma_start3A, %dma_start3A_45] : memref<10000x128xf32, #tpu.memory_space<hbm>> -> memref<10000x128xf32, #tpu.memory_space<hbm>>
      tpu.enqueue_indirect_dma source(%dma_start3A_46 : memref<10000x128xf32, #tpu.memory_space<hbm>>) target(%arg15 : memref<128x128xf32, #tpu.memory_space<vmem>>) offsets(%arg13 : memref<128xi32, #tpu.memory_space<vmem>>) semaphore(%arg17 : memref<!tpu.dma_semaphore, #tpu.memory_space<semaphore_mem>>)
      %get3A = arith.constant 0 : index
      %get3A_47 = tpu.vector_load %arg14[%get3A] {strides = array<i32>} : memref<128xi32, #tpu.memory_space<vmem>>, vector<16xi32>,
      %get3A_48 = vector.shape_cast %get3A_47 : vector<16xi32> to vector<16xi32>
      %sub3A = vector.broadcast %mul3A_0 : i32 to vector<16xi32>
      %sub3A_49 = arith.subi %get3A_48, %sub3A : vector<16xi32>
      %ge3A = arith.constant 0 : i32
      %ge3A_50 = vector.broadcast %ge3A : i32 to vector<16xi32>
      %ge3A_51 = arith.cmpi sge, %sub3A_49, %ge3A_50 : vector<16xi32>
      %lt3A = arith.constant 5000 : i32
      %lt3A_52 = vector.broadcast %lt3A : i32 to vector<16xi32>
      %lt3A_53 = arith.cmpi slt, %sub3A_49, %lt3A_52 : vector<16xi32>
      %and3A = arith.andi %ge3A_51, %lt3A_53 : vector<16xi1>
      %jit3A = arith.constant 5000 : i32
      %broadcast_in_dim3A = vector.broadcast %jit3A : i32 to vector<16xi32>
      %select_n3A = arith.select %and3A, %sub3A_49, %broadcast_in_dim3A : vector<16xi1>, vector<16xi32>
      %swap3A = arith.constant 0 : index
      %swap3A_54 = tpu.vector_load %arg14[%swap3A] {strides = array<i32>} : memref<128xi32, #tpu.memory_space<vmem>>, vector<16xi32>,
      %swap3A_55 = vector.shape_cast %swap3A_54 : vector<16xi32> to vector<16xi32>
      %swap3A_56 = vector.shape_cast %select_n3A : vector<16xi32> to vector<16xi32>
      tpu.vector_store %arg14[%swap3A], %swap3A_56 {strides = array<i32>} : memref<128xi32, #tpu.memory_space<vmem>>, vector<16xi32>,
      %get3A_57 = arith.constant 16 : index
      %get3A_58 = tpu.vector_load %arg14[%get3A_57] {strides = array<i32>} : memref<128xi32, #tpu.memory_space<vmem>>, vector<16xi32>,
      %get3A_59 = vector.shape_cast %get3A_58 : vector<16xi32> to vector<16xi32>
      %sub3A_60 = vector.broadcast %mul3A_0 : i32 to vector<16xi32>
      %sub3A_61 = arith.subi %get3A_59, %sub3A_60 : vector<16xi32>
      %ge3A_62 = arith.constant 0 : i32
      %ge3A_63 = vector.broadcast %ge3A_62 : i32 to vector<16xi32>
      %ge3A_64 = arith.cmpi sge, %sub3A_61, %ge3A_63 : vector<16xi32>
      %lt3A_65 = arith.constant 5000 : i32
      %lt3A_66 = vector.broadcast %lt3A_65 : i32 to vector<16xi32>
      %lt3A_67 = arith.cmpi slt, %sub3A_61, %lt3A_66 : vector<16xi32>
      %and3A_68 = arith.andi %ge3A_64, %lt3A_67 : vector<16xi1>
      %jit3A_69 = arith.constant 5000 : i32
      %broadcast_in_dim3A_70 = vector.broadcast %jit3A_69 : i32 to vector<16xi32>
      %select_n3A_71 = arith.select %and3A_68, %sub3A_61, %broadcast_in_dim3A_70 : vector<16xi1>, vector<16xi32>
      %swap3A_72 = arith.constant 16 : index
      %swap3A_73 = tpu.vector_load %arg14[%swap3A_72] {strides = array<i32>} : memref<128xi32, #tpu.memory_space<vmem>>, vector<16xi32>,
      %swap3A_74 = vector.shape_cast %swap3A_73 : vector<16xi32> to vector<16xi32>
      %swap3A_75 = vector.shape_cast %select_n3A_71 : vector<16xi32> to vector<16xi32>
      tpu.vector_store %arg14[%swap3A_72], %swap3A_75 {strides = array<i32>} : memref<128xi32, #tpu.memory_space<vmem>>, vector<16xi32>,
      %get3A_76 = arith.constant 32 : index
      %get3A_77 = tpu.vector_load %arg14[%get3A_76] {strides = array<i32>} : memref<128xi32, #tpu.memory_space<vmem>>, vector<16xi32>,
      %get3A_78 = vector.shape_cast %get3A_77 : vector<16xi32> to vector<16xi32>
      %sub3A_79 = vector.broadcast %mul3A_0 : i32 to vector<16xi32>
      %sub3A_80 = arith.subi %get3A_78, %sub3A_79 : vector<16xi32>
      %ge3A_81 = arith.constant 0 : i32
      %ge3A_82 = vector.broadcast %ge3A_81 : i32 to vector<16xi32>
      %ge3A_83 = arith.cmpi sge, %sub3A_80, %ge3A_82 : vector<16xi32>
      %lt3A_84 = arith.constant 5000 : i32
      %lt3A_85 = vector.broadcast %lt3A_84 : i32 to vector<16xi32>
      %lt3A_86 = arith.cmpi slt, %sub3A_80, %lt3A_85 : vector<16xi32>
      %and3A_87 = arith.andi %ge3A_83, %lt3A_86 : vector<16xi1>
      %jit3A_88 = arith.constant 5000 : i32
      %broadcast_in_dim3A_89 = vector.broadcast %jit3A_88 : i32 to vector<16xi32>
      %select_n3A_90 = arith.select %and3A_87, %sub3A_80, %broadcast_in_dim3A_89 : vector<16xi1>, vector<16xi32>
      %swap3A_91 = arith.constant 32 : index
      %swap3A_92 = tpu.vector_load %arg14[%swap3A_91] {strides = array<i32>} : memref<128xi32, #tpu.memory_space<vmem>>, vector<16xi32>,
      %swap3A_93 = vector.shape_cast %swap3A_92 : vector<16xi32> to vector<16xi32>
      %swap3A_94 = vector.shape_cast %select_n3A_90 : vector<16xi32> to vector<16xi32>
      tpu.vector_store %arg14[%swap3A_91], %swap3A_94 {strides = array<i32>} : memref<128xi32, #tpu.memory_space<vmem>>, vector<16xi32>,
      %get3A_95 = arith.constant 48 : index
      %get3A_96 = tpu.vector_load %arg14[%get3A_95] {strides = array<i32>} : memref<128xi32, #tpu.memory_space<vmem>>, vector<16xi32>,
      %get3A_97 = vector.shape_cast %get3A_96 : vector<16xi32> to vector<16xi32>
      %sub3A_98 = vector.broadcast %mul3A_0 : i32 to vector<16xi32>
      %sub3A_99 = arith.subi %get3A_97, %sub3A_98 : vector<16xi32>
      %ge3A_100 = arith.constant 0 : i32
      %ge3A_101 = vector.broadcast %ge3A_100 : i32 to vector<16xi32>
      %ge3A_102 = arith.cmpi sge, %sub3A_99, %ge3A_101 : vector<16xi32>
      %lt3A_103 = arith.constant 5000 : i32
      %lt3A_104 = vector.broadcast %lt3A_103 : i32 to vector<16xi32>
      %lt3A_105 = arith.cmpi slt, %sub3A_99, %lt3A_104 : vector<16xi32>
      %and3A_106 = arith.andi %ge3A_102, %lt3A_105 : vector<16xi1>
      %jit3A_107 = arith.constant 5000 : i32
      %broadcast_in_dim3A_108 = vector.broadcast %jit3A_107 : i32 to vector<16xi32>
      %select_n3A_109 = arith.select %and3A_106, %sub3A_99, %broadcast_in_dim3A_108 : vector<16xi1>, vector<16xi32>
      %swap3A_110 = arith.constant 48 : index
      %swap3A_111 = tpu.vector_load %arg14[%swap3A_110] {strides = array<i32>} : memref<128xi32, #tpu.memory_space<vmem>>, vector<16xi32>,
      %swap3A_112 = vector.shape_cast %swap3A_111 : vector<16xi32> to vector<16xi32>
      %swap3A_113 = vector.shape_cast %select_n3A_109 : vector<16xi32> to vector<16xi32>
      tpu.vector_store %arg14[%swap3A_110], %swap3A_113 {strides = array<i32>} : memref<128xi32, #tpu.memory_space<vmem>>, vector<16xi32>,
      %get3A_114 = arith.constant 64 : index
      %get3A_115 = tpu.vector_load %arg14[%get3A_114] {strides = array<i32>} : memref<128xi32, #tpu.memory_space<vmem>>, vector<16xi32>,
      %get3A_116 = vector.shape_cast %get3A_115 : vector<16xi32> to vector<16xi32>
      %sub3A_117 = vector.broadcast %mul3A_0 : i32 to vector<16xi32>
      %sub3A_118 = arith.subi %get3A_116, %sub3A_117 : vector<16xi32>
      %ge3A_119 = arith.constant 0 : i32
      %ge3A_120 = vector.broadcast %ge3A_119 : i32 to vector<16xi32>
      %ge3A_121 = arith.cmpi sge, %sub3A_118, %ge3A_120 : vector<16xi32>
      %lt3A_122 = arith.constant 5000 : i32
      %lt3A_123 = vector.broadcast %lt3A_122 : i32 to vector<16xi32>
      %lt3A_124 = arith.cmpi slt, %sub3A_118, %lt3A_123 : vector<16xi32>
      %and3A_125 = arith.andi %ge3A_121, %lt3A_124 : vector<16xi1>
      %jit3A_126 = arith.constant 5000 : i32
      %broadcast_in_dim3A_127 = vector.broadcast %jit3A_126 : i32 to vector<16xi32>
      %select_n3A_128 = arith.select %and3A_125, %sub3A_118, %broadcast_in_dim3A_127 : vector<16xi1>, vector<16xi32>
      %swap3A_129 = arith.constant 64 : index
      %swap3A_130 = tpu.vector_load %arg14[%swap3A_129] {strides = array<i32>} : memref<128xi32, #tpu.memory_space<vmem>>, vector<16xi32>,
      %swap3A_131 = vector.shape_cast %swap3A_130 : vector<16xi32> to vector<16xi32>
      %swap3A_132 = vector.shape_cast %select_n3A_128 : vector<16xi32> to vector<16xi32>
      tpu.vector_store %arg14[%swap3A_129], %swap3A_132 {strides = array<i32>} : memref<128xi32, #tpu.memory_space<vmem>>, vector<16xi32>,
      %get3A_133 = arith.constant 80 : index
      %get3A_134 = tpu.vector_load %arg14[%get3A_133] {strides = array<i32>} : memref<128xi32, #tpu.memory_space<vmem>>, vector<16xi32>,
      %get3A_135 = vector.shape_cast %get3A_134 : vector<16xi32> to vector<16xi32>
      %sub3A_136 = vector.broadcast %mul3A_0 : i32 to vector<16xi32>
      %sub3A_137 = arith.subi %get3A_135, %sub3A_136 : vector<16xi32>
      %ge3A_138 = arith.constant 0 : i32
      %ge3A_139 = vector.broadcast %ge3A_138 : i32 to vector<16xi32>
      %ge3A_140 = arith.cmpi sge, %sub3A_137, %ge3A_139 : vector<16xi32>
      %lt3A_141 = arith.constant 5000 : i32
      %lt3A_142 = vector.broadcast %lt3A_141 : i32 to vector<16xi32>
      %lt3A_143 = arith.cmpi slt, %sub3A_137, %lt3A_142 : vector<16xi32>
      %and3A_144 = arith.andi %ge3A_140, %lt3A_143 : vector<16xi1>
      %jit3A_145 = arith.constant 5000 : i32
      %broadcast_in_dim3A_146 = vector.broadcast %jit3A_145 : i32 to vector<16xi32>
      %select_n3A_147 = arith.select %and3A_144, %sub3A_137, %broadcast_in_dim3A_146 : vector<16xi1>, vector<16xi32>
      %swap3A_148 = arith.constant 80 : index
      %swap3A_149 = tpu.vector_load %arg14[%swap3A_148] {strides = array<i32>} : memref<128xi32, #tpu.memory_space<vmem>>, vector<16xi32>,
      %swap3A_150 = vector.shape_cast %swap3A_149 : vector<16xi32> to vector<16xi32>
      %swap3A_151 = vector.shape_cast %select_n3A_147 : vector<16xi32> to vector<16xi32>
      tpu.vector_store %arg14[%swap3A_148], %swap3A_151 {strides = array<i32>} : memref<128xi32, #tpu.memory_space<vmem>>, vector<16xi32>,
      %get3A_152 = arith.constant 96 : index
      %get3A_153 = tpu.vector_load %arg14[%get3A_152] {strides = array<i32>} : memref<128xi32, #tpu.memory_space<vmem>>, vector<16xi32>,
      %get3A_154 = vector.shape_cast %get3A_153 : vector<16xi32> to vector<16xi32>
      %sub3A_155 = vector.broadcast %mul3A_0 : i32 to vector<16xi32>
      %sub3A_156 = arith.subi %get3A_154, %sub3A_155 : vector<16xi32>
      %ge3A_157 = arith.constant 0 : i32
      %ge3A_158 = vector.broadcast %ge3A_157 : i32 to vector<16xi32>
      %ge3A_159 = arith.cmpi sge, %sub3A_156, %ge3A_158 : vector<16xi32>
      %lt3A_160 = arith.constant 5000 : i32
      %lt3A_161 = vector.broadcast %lt3A_160 : i32 to vector<16xi32>
      %lt3A_162 = arith.cmpi slt, %sub3A_156, %lt3A_161 : vector<16xi32>
      %and3A_163 = arith.andi %ge3A_159, %lt3A_162 : vector<16xi1>
      %jit3A_164 = arith.constant 5000 : i32
      %broadcast_in_dim3A_165 = vector.broadcast %jit3A_164 : i32 to vector<16xi32>
      %select_n3A_166 = arith.select %and3A_163, %sub3A_156, %broadcast_in_dim3A_165 : vector<16xi1>, vector<16xi32>
      %swap3A_167 = arith.constant 96 : index
      %swap3A_168 = tpu.vector_load %arg14[%swap3A_167] {strides = array<i32>} : memref<128xi32, #tpu.memory_space<vmem>>, vector<16xi32>,
      %swap3A_169 = vector.shape_cast %swap3A_168 : vector<16xi32> to vector<16xi32>
      %swap3A_170 = vector.shape_cast %select_n3A_166 : vector<16xi32> to vector<16xi32>
      tpu.vector_store %arg14[%swap3A_167], %swap3A_170 {strides = array<i32>} : memref<128xi32, #tpu.memory_space<vmem>>, vector<16xi32>,
      %get3A_171 = arith.constant 112 : index
      %get3A_172 = tpu.vector_load %arg14[%get3A_171] {strides = array<i32>} : memref<128xi32, #tpu.memory_space<vmem>>, vector<16xi32>,
      %get3A_173 = vector.shape_cast %get3A_172 : vector<16xi32> to vector<16xi32>
      %sub3A_174 = vector.broadcast %mul3A_0 : i32 to vector<16xi32>
      %sub3A_175 = arith.subi %get3A_173, %sub3A_174 : vector<16xi32>
      %ge3A_176 = arith.constant 0 : i32
      %ge3A_177 = vector.broadcast %ge3A_176 : i32 to vector<16xi32>
      %ge3A_178 = arith.cmpi sge, %sub3A_175, %ge3A_177 : vector<16xi32>
      %lt3A_179 = arith.constant 5000 : i32
      %lt3A_180 = vector.broadcast %lt3A_179 : i32 to vector<16xi32>
      %lt3A_181 = arith.cmpi slt, %sub3A_175, %lt3A_180 : vector<16xi32>
      %and3A_182 = arith.andi %ge3A_178, %lt3A_181 : vector<16xi1>
      %jit3A_183 = arith.constant 5000 : i32
      %broadcast_in_dim3A_184 = vector.broadcast %jit3A_183 : i32 to vector<16xi32>
      %select_n3A_185 = arith.select %and3A_182, %sub3A_175, %broadcast_in_dim3A_184 : vector<16xi1>, vector<16xi32>
      %swap3A_186 = arith.constant 112 : index
      %swap3A_187 = tpu.vector_load %arg14[%swap3A_186] {strides = array<i32>} : memref<128xi32, #tpu.memory_space<vmem>>, vector<16xi32>,
      %swap3A_188 = vector.shape_cast %swap3A_187 : vector<16xi32> to vector<16xi32>
      %swap3A_189 = vector.shape_cast %select_n3A_185 : vector<16xi32> to vector<16xi32>
      tpu.vector_store %arg14[%swap3A_186], %swap3A_189 {strides = array<i32>} : memref<128xi32, #tpu.memory_space<vmem>>, vector<16xi32>,
      %dma_wait3A = arith.constant 0 : i32
      %dma_wait3A_190 = arith.constant 0 : i32
      %dma_wait3A_191 = tpu.memref_slice %arg2[%dma_wait3A, %dma_wait3A_190] : memref<10000x128xf32, #tpu.memory_space<hbm>> -> memref<10000x128xf32, #tpu.memory_space<hbm>>
      tpu.wait_indirect_dma semaphore(%arg17 : memref<!tpu.dma_semaphore, #tpu.memory_space<semaphore_mem>>) src(%dma_wait3A_191 : memref<10000x128xf32, #tpu.memory_space<hbm>>) dst(%arg15 : memref<128x128xf32, #tpu.memory_space<vmem>>)
      "tpu.region"() ({
        %run_scoped3A_192 = tpu.sem_alloc : memref<!tpu.dma_semaphore, #tpu.memory_space<semaphore_mem>>
        %dma_start3A_193 = arith.constant 0 : i32
        %dma_start3A_194 = arith.constant 0 : i32
        %dma_start3A_195 = tpu.memref_slice %arg11[%dma_start3A_193, %dma_start3A_194] : memref<5120x128xf32, #tpu.memory_space<vmem_shared>> -> memref<5120x128xf32, #tpu.memory_space<vmem_shared>>
        tpu.enqueue_indirect_dma source(%arg15 : memref<128x128xf32, #tpu.memory_space<vmem>>) target(%dma_start3A_195 : memref<5120x128xf32, #tpu.memory_space<vmem_shared>>) offsets(%arg14 : memref<128xi32, #tpu.memory_space<vmem>>) semaphore(%run_scoped3A_192 : memref<!tpu.dma_semaphore, #tpu.memory_space<semaphore_mem>>) {add = true}
        %dma_wait3A_196 = arith.constant 0 : i32
        %dma_wait3A_197 = arith.constant 0 : i32
        %dma_wait3A_198 = tpu.memref_slice %arg11[%dma_wait3A_196, %dma_wait3A_197] : memref<5120x128xf32, #tpu.memory_space<vmem_shared>> -> memref<5120x128xf32, #tpu.memory_space<vmem_shared>>
        tpu.wait_indirect_dma semaphore(%run_scoped3A_192 : memref<!tpu.dma_semaphore, #tpu.memory_space<semaphore_mem>>) src(%arg15 : memref<128x128xf32, #tpu.memory_space<vmem>>) dst(%dma_wait3A_198 : memref<5120x128xf32, #tpu.memory_space<vmem_shared>>)
        tpu.yield
      }) : () -> ()
      "tpu.region"() ({
        %run_scoped3A_192 = tpu.sem_alloc : memref<!tpu.dma_semaphore, #tpu.memory_space<semaphore_mem>>
        %dma_start3A_193 = arith.constant 0 : i32
        %dma_start3A_194 = arith.constant 0 : i32
        %dma_start3A_195 = tpu.memref_slice %arg12[%dma_start3A_193, %dma_start3A_194] : memref<5120x128xf32, #tpu.memory_space<vmem_shared>> -> memref<5120x128xf32, #tpu.memory_space<vmem_shared>>
        tpu.enqueue_indirect_dma source(%arg16 : memref<128x128xf32, #tpu.memory_space<vmem>>) target(%dma_start3A_195 : memref<5120x128xf32, #tpu.memory_space<vmem_shared>>) offsets(%arg14 : memref<128xi32, #tpu.memory_space<vmem>>) semaphore(%run_scoped3A_192 : memref<!tpu.dma_semaphore, #tpu.memory_space<semaphore_mem>>) {add = true}
        %dma_wait3A_196 = arith.constant 0 : i32
        %dma_wait3A_197 = arith.constant 0 : i32
        %dma_wait3A_198 = tpu.memref_slice %arg12[%dma_wait3A_196, %dma_wait3A_197] : memref<5120x128xf32, #tpu.memory_space<vmem_shared>> -> memref<5120x128xf32, #tpu.memory_space<vmem_shared>>
        tpu.wait_indirect_dma semaphore(%run_scoped3A_192 : memref<!tpu.dma_semaphore, #tpu.memory_space<semaphore_mem>>) src(%arg16 : memref<128x128xf32, #tpu.memory_space<vmem>>) dst(%dma_wait3A_198 : memref<5120x128xf32, #tpu.memory_space<vmem_shared>>)
        tpu.yield
      }) : () -> ()
    }
    %scan3A_23 = arith.constant 157 : i32
    %barrier3A_24 = arith.constant 0 : index
    tpu.barrier barrier_id(%barrier3A_24)
    %run_scoped3A_25 = arith.constant 1 : i32
    "tpu.region"() ({
      %run_scoped3A_41 = tpu.sem_alloc : memref<!tpu.dma_semaphore, #tpu.memory_space<semaphore_mem>>
      %dma_start3A = arith.constant 0 : i32
      %dma_start3A_42 = tpu.memref_slice %arg9[%run_scoped3A_25, %arg0, %mul3A_2, %dma_start3A] : memref<3x2x5120x128xf32, #tpu.memory_space<hbm>> -> memref<1x1x320x128xf32, #tpu.memory_space<hbm>>
      %dma_start3A_43 = tpu.memref_squeeze %dma_start3A_42 : memref<1x1x320x128xf32, #tpu.memory_space<hbm>> -> memref<320x128xf32, #tpu.memory_space<hbm>>
      %dma_start3A_44 = arith.constant 0 : i32
      %dma_start3A_45 = tpu.memref_slice %arg11[%mul3A_2, %dma_start3A_44] : memref<5120x128xf32, #tpu.memory_space<vmem_shared>> -> memref<320x128xf32, #tpu.memory_space<vmem_shared>>
      tpu.enqueue_dma source(%dma_start3A_45 : memref<320x128xf32, #tpu.memory_space<vmem_shared>>) target(%dma_start3A_43 : memref<320x128xf32, #tpu.memory_space<hbm>>) target_semaphore(%run_scoped3A_41 : memref<!tpu.dma_semaphore, #tpu.memory_space<semaphore_mem>>)
      %dma_wait3A = arith.constant 0 : i32
      %dma_wait3A_46 = tpu.memref_slice %arg9[%run_scoped3A_25, %arg0, %mul3A_2, %dma_wait3A] : memref<3x2x5120x128xf32, #tpu.memory_space<hbm>> -> memref<1x1x320x128xf32, #tpu.memory_space<hbm>>
      %dma_wait3A_47 = tpu.memref_squeeze %dma_wait3A_46 : memref<1x1x320x128xf32, #tpu.memory_space<hbm>> -> memref<320x128xf32, #tpu.memory_space<hbm>>
      %dma_wait3A_48 = arith.constant 0 : i32
      %dma_wait3A_49 = tpu.memref_slice %arg11[%mul3A_2, %dma_wait3A_48] : memref<5120x128xf32, #tpu.memory_space<vmem_shared>> -> memref<320x128xf32, #tpu.memory_space<vmem_shared>>
      tpu.wait_dma2 semaphore(%run_scoped3A_41 : memref<!tpu.dma_semaphore, #tpu.memory_space<semaphore_mem>>) src(%dma_wait3A_49 : memref<320x128xf32, #tpu.memory_space<vmem_shared>>) dst(%dma_wait3A_47 : memref<320x128xf32, #tpu.memory_space<hbm>>)
      tpu.yield
    }) : () -> ()
    %run_scoped3A_26 = arith.constant 1 : i32
    "tpu.region"() ({
      %run_scoped3A_41 = tpu.sem_alloc : memref<!tpu.dma_semaphore, #tpu.memory_space<semaphore_mem>>
      %dma_start3A = arith.constant 0 : i32
      %dma_start3A_42 = tpu.memref_slice %arg10[%run_scoped3A_26, %arg0, %mul3A_2, %dma_start3A] : memref<3x2x5120x128xf32, #tpu.memory_space<hbm>> -> memref<1x1x320x128xf32, #tpu.memory_space<hbm>>
      %dma_start3A_43 = tpu.memref_squeeze %dma_start3A_42 : memref<1x1x320x128xf32, #tpu.memory_space<hbm>> -> memref<320x128xf32, #tpu.memory_space<hbm>>
      %dma_start3A_44 = arith.constant 0 : i32
      %dma_start3A_45 = tpu.memref_slice %arg12[%mul3A_2, %dma_start3A_44] : memref<5120x128xf32, #tpu.memory_space<vmem_shared>> -> memref<320x128xf32, #tpu.memory_space<vmem_shared>>
      tpu.enqueue_dma source(%dma_start3A_45 : memref<320x128xf32, #tpu.memory_space<vmem_shared>>) target(%dma_start3A_43 : memref<320x128xf32, #tpu.memory_space<hbm>>) target_semaphore(%run_scoped3A_41 : memref<!tpu.dma_semaphore, #tpu.memory_space<semaphore_mem>>)
      %dma_wait3A = arith.constant 0 : i32
      %dma_wait3A_46 = tpu.memref_slice %arg10[%run_scoped3A_26, %arg0, %mul3A_2, %dma_wait3A] : memref<3x2x5120x128xf32, #tpu.memory_space<hbm>> -> memref<1x1x320x128xf32, #tpu.memory_space<hbm>>
      %dma_wait3A_47 = tpu.memref_squeeze %dma_wait3A_46 : memref<1x1x320x128xf32, #tpu.memory_space<hbm>> -> memref<320x128xf32, #tpu.memory_space<hbm>>
      %dma_wait3A_48 = arith.constant 0 : i32
      %dma_wait3A_49 = tpu.memref_slice %arg12[%mul3A_2, %dma_wait3A_48] : memref<5120x128xf32, #tpu.memory_space<vmem_shared>> -> memref<320x128xf32, #tpu.memory_space<vmem_shared>>
      tpu.wait_dma2 semaphore(%run_scoped3A_41 : memref<!tpu.dma_semaphore, #tpu.memory_space<semaphore_mem>>) src(%dma_wait3A_49 : memref<320x128xf32, #tpu.memory_space<vmem_shared>>) dst(%dma_wait3A_47 : memref<320x128xf32, #tpu.memory_space<hbm>>)
      tpu.yield
    }) : () -> ()
    "tpu.region"() ({
      %run_scoped3A_41 = tpu.sem_alloc : memref<!tpu.dma_semaphore, #tpu.memory_space<semaphore_mem>>
      %dma_start3A = arith.constant 0 : i32
      %dma_start3A_42 = tpu.memref_slice %arg11[%mul3A_2, %dma_start3A] : memref<5120x128xf32, #tpu.memory_space<vmem_shared>> -> memref<320x128xf32, #tpu.memory_space<vmem_shared>>
      %dma_start3A_43 = arith.constant 0 : i32
      %dma_start3A_44 = tpu.memref_slice %arg6[%mul3A_2, %dma_start3A_43] : memref<5120x128xf32, #tpu.memory_space<hbm>> -> memref<320x128xf32, #tpu.memory_space<hbm>>
      tpu.enqueue_dma source(%dma_start3A_44 : memref<320x128xf32, #tpu.memory_space<hbm>>) target(%dma_start3A_42 : memref<320x128xf32, #tpu.memory_space<vmem_shared>>) target_semaphore(%run_scoped3A_41 : memref<!tpu.dma_semaphore, #tpu.memory_space<semaphore_mem>>)
      %dma_wait3A = arith.constant 0 : i32
      %dma_wait3A_45 = tpu.memref_slice %arg11[%mul3A_2, %dma_wait3A] : memref<5120x128xf32, #tpu.memory_space<vmem_shared>> -> memref<320x128xf32, #tpu.memory_space<vmem_shared>>
      %dma_wait3A_46 = arith.constant 0 : i32
      %dma_wait3A_47 = tpu.memref_slice %arg6[%mul3A_2, %dma_wait3A_46] : memref<5120x128xf32, #tpu.memory_space<hbm>> -> memref<320x128xf32, #tpu.memory_space<hbm>>
      tpu.wait_dma2 semaphore(%run_scoped3A_41 : memref<!tpu.dma_semaphore, #tpu.memory_space<semaphore_mem>>) src(%dma_wait3A_47 : memref<320x128xf32, #tpu.memory_space<hbm>>) dst(%dma_wait3A_45 : memref<320x128xf32, #tpu.memory_space<vmem_shared>>)
      tpu.yield
    }) : () -> ()
    "tpu.region"() ({
      %run_scoped3A_41 = tpu.sem_alloc : memref<!tpu.dma_semaphore, #tpu.memory_space<semaphore_mem>>
      %dma_start3A = arith.constant 0 : i32
      %dma_start3A_42 = tpu.memref_slice %arg12[%mul3A_2, %dma_start3A] : memref<5120x128xf32, #tpu.memory_space<vmem_shared>> -> memref<320x128xf32, #tpu.memory_space<vmem_shared>>
      %dma_start3A_43 = arith.constant 0 : i32
      %dma_start3A_44 = tpu.memref_slice %arg7[%mul3A_2, %dma_start3A_43] : memref<5120x128xf32, #tpu.memory_space<hbm>> -> memref<320x128xf32, #tpu.memory_space<hbm>>
      tpu.enqueue_dma source(%dma_start3A_44 : memref<320x128xf32, #tpu.memory_space<hbm>>) target(%dma_start3A_42 : memref<320x128xf32, #tpu.memory_space<vmem_shared>>) target_semaphore(%run_scoped3A_41 : memref<!tpu.dma_semaphore, #tpu.memory_space<semaphore_mem>>)
      %dma_wait3A = arith.constant 0 : i32
      %dma_wait3A_45 = tpu.memref_slice %arg12[%mul3A_2, %dma_wait3A] : memref<5120x128xf32, #tpu.memory_space<vmem_shared>> -> memref<320x128xf32, #tpu.memory_space<vmem_shared>>
      %dma_wait3A_46 = arith.constant 0 : i32
      %dma_wait3A_47 = tpu.memref_slice %arg7[%mul3A_2, %dma_wait3A_46] : memref<5120x128xf32, #tpu.memory_space<hbm>> -> memref<320x128xf32, #tpu.memory_space<hbm>>
      tpu.wait_dma2 semaphore(%run_scoped3A_41 : memref<!tpu.dma_semaphore, #tpu.memory_space<semaphore_mem>>) src(%dma_wait3A_47 : memref<320x128xf32, #tpu.memory_space<hbm>>) dst(%dma_wait3A_45 : memref<320x128xf32, #tpu.memory_space<vmem_shared>>)
      tpu.yield
    }) : () -> ()
    %barrier3A_27 = arith.constant 0 : index
    tpu.barrier barrier_id(%barrier3A_27)
    %add3A_28 = arith.constant 32 : i32
    %add3A_29 = arith.addi %add3A_28, %arg1 : i32
    %mul3A_30 = arith.constant 20096 : i32
    %mul3A_31 = arith.muli %add3A_29, %mul3A_30 : i32
    %scan3A_32 = arith.constant 0 : i32
    %scan3A_33 = arith.constant 0 : i32
    %scan3A_34 = arith.constant 157 : i32
    %scan3A_35 = arith.addi %scan3A_33, %scan3A_34 : i32
    %scan3A_36 = arith.constant 1 : i32
    scf.for %scan3A_41 = %scan3A_33 to %scan3A_35 step %scan3A_36  : i32 {
      %mul3A_42 = arith.constant 128 : i32
      %mul3A_43 = arith.muli %scan3A_41, %mul3A_42 : i32
      %add3A_44 = arith.addi %mul3A_31, %mul3A_43 : i32
      "tpu.region"() ({
        %run_scoped3A_192 = tpu.sem_alloc : memref<!tpu.dma_semaphore, #tpu.memory_space<semaphore_mem>>
        %dma_start3A_193 = tpu.memref_slice %arg4[%add3A_44] : memref<964608xi32, #tpu.memory_space<hbm>> -> memref<128xi32, #tpu.memory_space<hbm>>
        %dma_start3A_194 = tpu.memref_slice %arg4[%add3A_44] : memref<964608xi32, #tpu.memory_space<hbm>> -> memref<128xi32, #tpu.memory_space<hbm>>
        tpu.enqueue_dma source(%dma_start3A_194 : memref<128xi32, #tpu.memory_space<hbm>>) target(%arg13 : memref<128xi32, #tpu.memory_space<vmem>>) target_semaphore(%run_scoped3A_192 : memref<!tpu.dma_semaphore, #tpu.memory_space<semaphore_mem>>)
        %dma_wait3A_195 = tpu.memref_slice %arg4[%add3A_44] : memref<964608xi32, #tpu.memory_space<hbm>> -> memref<128xi32, #tpu.memory_space<hbm>>
        %dma_wait3A_196 = tpu.memref_slice %arg4[%add3A_44] : memref<964608xi32, #tpu.memory_space<hbm>> -> memref<128xi32, #tpu.memory_space<hbm>>
        tpu.wait_dma2 semaphore(%run_scoped3A_192 : memref<!tpu.dma_semaphore, #tpu.memory_space<semaphore_mem>>) src(%dma_wait3A_196 : memref<128xi32, #tpu.memory_space<hbm>>) dst(%arg13 : memref<128xi32, #tpu.memory_space<vmem>>)
        tpu.yield
      }) : () -> ()
      "tpu.region"() ({
        %run_scoped3A_192 = tpu.sem_alloc : memref<!tpu.dma_semaphore, #tpu.memory_space<semaphore_mem>>
        %dma_start3A_193 = tpu.memref_slice %arg5[%add3A_44] : memref<964608xi32, #tpu.memory_space<hbm>> -> memref<128xi32, #tpu.memory_space<hbm>>
        %dma_start3A_194 = tpu.memref_slice %arg5[%add3A_44] : memref<964608xi32, #tpu.memory_space<hbm>> -> memref<128xi32, #tpu.memory_space<hbm>>
        tpu.enqueue_dma source(%dma_start3A_194 : memref<128xi32, #tpu.memory_space<hbm>>) target(%arg14 : memref<128xi32, #tpu.memory_space<vmem>>) target_semaphore(%run_scoped3A_192 : memref<!tpu.dma_semaphore, #tpu.memory_space<semaphore_mem>>)
        %dma_wait3A_195 = tpu.memref_slice %arg5[%add3A_44] : memref<964608xi32, #tpu.memory_space<hbm>> -> memref<128xi32, #tpu.memory_space<hbm>>
        %dma_wait3A_196 = tpu.memref_slice %arg5[%add3A_44] : memref<964608xi32, #tpu.memory_space<hbm>> -> memref<128xi32, #tpu.memory_space<hbm>>
        tpu.wait_dma2 semaphore(%run_scoped3A_192 : memref<!tpu.dma_semaphore, #tpu.memory_space<semaphore_mem>>) src(%dma_wait3A_196 : memref<128xi32, #tpu.memory_space<hbm>>) dst(%arg14 : memref<128xi32, #tpu.memory_space<vmem>>)
        tpu.yield
      }) : () -> ()
      %dma_start3A = arith.constant 0 : i32
      %dma_start3A_45 = arith.constant 0 : i32
      %dma_start3A_46 = tpu.memref_slice %arg3[%dma_start3A, %dma_start3A_45] : memref<10000x128xf32, #tpu.memory_space<hbm>> -> memref<10000x128xf32, #tpu.memory_space<hbm>>
      tpu.enqueue_indirect_dma source(%dma_start3A_46 : memref<10000x128xf32, #tpu.memory_space<hbm>>) target(%arg15 : memref<128x128xf32, #tpu.memory_space<vmem>>) offsets(%arg13 : memref<128xi32, #tpu.memory_space<vmem>>) semaphore(%arg17 : memref<!tpu.dma_semaphore, #tpu.memory_space<semaphore_mem>>)
      %get3A = arith.constant 0 : index
      %get3A_47 = tpu.vector_load %arg14[%get3A] {strides = array<i32>} : memref<128xi32, #tpu.memory_space<vmem>>, vector<16xi32>,
      %get3A_48 = vector.shape_cast %get3A_47 : vector<16xi32> to vector<16xi32>
      %sub3A = vector.broadcast %mul3A_0 : i32 to vector<16xi32>
      %sub3A_49 = arith.subi %get3A_48, %sub3A : vector<16xi32>
      %ge3A = arith.constant 0 : i32
      %ge3A_50 = vector.broadcast %ge3A : i32 to vector<16xi32>
      %ge3A_51 = arith.cmpi sge, %sub3A_49, %ge3A_50 : vector<16xi32>
      %lt3A = arith.constant 5000 : i32
      %lt3A_52 = vector.broadcast %lt3A : i32 to vector<16xi32>
      %lt3A_53 = arith.cmpi slt, %sub3A_49, %lt3A_52 : vector<16xi32>
      %and3A = arith.andi %ge3A_51, %lt3A_53 : vector<16xi1>
      %jit3A = arith.constant 5000 : i32
      %broadcast_in_dim3A = vector.broadcast %jit3A : i32 to vector<16xi32>
      %select_n3A = arith.select %and3A, %sub3A_49, %broadcast_in_dim3A : vector<16xi1>, vector<16xi32>
      %swap3A = arith.constant 0 : index
      %swap3A_54 = tpu.vector_load %arg14[%swap3A] {strides = array<i32>} : memref<128xi32, #tpu.memory_space<vmem>>, vector<16xi32>,
      %swap3A_55 = vector.shape_cast %swap3A_54 : vector<16xi32> to vector<16xi32>
      %swap3A_56 = vector.shape_cast %select_n3A : vector<16xi32> to vector<16xi32>
      tpu.vector_store %arg14[%swap3A], %swap3A_56 {strides = array<i32>} : memref<128xi32, #tpu.memory_space<vmem>>, vector<16xi32>,
      %get3A_57 = arith.constant 16 : index
      %get3A_58 = tpu.vector_load %arg14[%get3A_57] {strides = array<i32>} : memref<128xi32, #tpu.memory_space<vmem>>, vector<16xi32>,
      %get3A_59 = vector.shape_cast %get3A_58 : vector<16xi32> to vector<16xi32>
      %sub3A_60 = vector.broadcast %mul3A_0 : i32 to vector<16xi32>
      %sub3A_61 = arith.subi %get3A_59, %sub3A_60 : vector<16xi32>
      %ge3A_62 = arith.constant 0 : i32
      %ge3A_63 = vector.broadcast %ge3A_62 : i32 to vector<16xi32>
      %ge3A_64 = arith.cmpi sge, %sub3A_61, %ge3A_63 : vector<16xi32>
      %lt3A_65 = arith.constant 5000 : i32
      %lt3A_66 = vector.broadcast %lt3A_65 : i32 to vector<16xi32>
      %lt3A_67 = arith.cmpi slt, %sub3A_61, %lt3A_66 : vector<16xi32>
      %and3A_68 = arith.andi %ge3A_64, %lt3A_67 : vector<16xi1>
      %jit3A_69 = arith.constant 5000 : i32
      %broadcast_in_dim3A_70 = vector.broadcast %jit3A_69 : i32 to vector<16xi32>
      %select_n3A_71 = arith.select %and3A_68, %sub3A_61, %broadcast_in_dim3A_70 : vector<16xi1>, vector<16xi32>
      %swap3A_72 = arith.constant 16 : index
      %swap3A_73 = tpu.vector_load %arg14[%swap3A_72] {strides = array<i32>} : memref<128xi32, #tpu.memory_space<vmem>>, vector<16xi32>,
      %swap3A_74 = vector.shape_cast %swap3A_73 : vector<16xi32> to vector<16xi32>
      %swap3A_75 = vector.shape_cast %select_n3A_71 : vector<16xi32> to vector<16xi32>
      tpu.vector_store %arg14[%swap3A_72], %swap3A_75 {strides = array<i32>} : memref<128xi32, #tpu.memory_space<vmem>>, vector<16xi32>,
      %get3A_76 = arith.constant 32 : index
      %get3A_77 = tpu.vector_load %arg14[%get3A_76] {strides = array<i32>} : memref<128xi32, #tpu.memory_space<vmem>>, vector<16xi32>,
      %get3A_78 = vector.shape_cast %get3A_77 : vector<16xi32> to vector<16xi32>
      %sub3A_79 = vector.broadcast %mul3A_0 : i32 to vector<16xi32>
      %sub3A_80 = arith.subi %get3A_78, %sub3A_79 : vector<16xi32>
      %ge3A_81 = arith.constant 0 : i32
      %ge3A_82 = vector.broadcast %ge3A_81 : i32 to vector<16xi32>
      %ge3A_83 = arith.cmpi sge, %sub3A_80, %ge3A_82 : vector<16xi32>
      %lt3A_84 = arith.constant 5000 : i32
      %lt3A_85 = vector.broadcast %lt3A_84 : i32 to vector<16xi32>
      %lt3A_86 = arith.cmpi slt, %sub3A_80, %lt3A_85 : vector<16xi32>
      %and3A_87 = arith.andi %ge3A_83, %lt3A_86 : vector<16xi1>
      %jit3A_88 = arith.constant 5000 : i32
      %broadcast_in_dim3A_89 = vector.broadcast %jit3A_88 : i32 to vector<16xi32>
      %select_n3A_90 = arith.select %and3A_87, %sub3A_80, %broadcast_in_dim3A_89 : vector<16xi1>, vector<16xi32>
      %swap3A_91 = arith.constant 32 : index
      %swap3A_92 = tpu.vector_load %arg14[%swap3A_91] {strides = array<i32>} : memref<128xi32, #tpu.memory_space<vmem>>, vector<16xi32>,
      %swap3A_93 = vector.shape_cast %swap3A_92 : vector<16xi32> to vector<16xi32>
      %swap3A_94 = vector.shape_cast %select_n3A_90 : vector<16xi32> to vector<16xi32>
      tpu.vector_store %arg14[%swap3A_91], %swap3A_94 {strides = array<i32>} : memref<128xi32, #tpu.memory_space<vmem>>, vector<16xi32>,
      %get3A_95 = arith.constant 48 : index
      %get3A_96 = tpu.vector_load %arg14[%get3A_95] {strides = array<i32>} : memref<128xi32, #tpu.memory_space<vmem>>, vector<16xi32>,
      %get3A_97 = vector.shape_cast %get3A_96 : vector<16xi32> to vector<16xi32>
      %sub3A_98 = vector.broadcast %mul3A_0 : i32 to vector<16xi32>
      %sub3A_99 = arith.subi %get3A_97, %sub3A_98 : vector<16xi32>
      %ge3A_100 = arith.constant 0 : i32
      %ge3A_101 = vector.broadcast %ge3A_100 : i32 to vector<16xi32>
      %ge3A_102 = arith.cmpi sge, %sub3A_99, %ge3A_101 : vector<16xi32>
      %lt3A_103 = arith.constant 5000 : i32
      %lt3A_104 = vector.broadcast %lt3A_103 : i32 to vector<16xi32>
      %lt3A_105 = arith.cmpi slt, %sub3A_99, %lt3A_104 : vector<16xi32>
      %and3A_106 = arith.andi %ge3A_102, %lt3A_105 : vector<16xi1>
      %jit3A_107 = arith.constant 5000 : i32
      %broadcast_in_dim3A_108 = vector.broadcast %jit3A_107 : i32 to vector<16xi32>
      %select_n3A_109 = arith.select %and3A_106, %sub3A_99, %broadcast_in_dim3A_108 : vector<16xi1>, vector<16xi32>
      %swap3A_110 = arith.constant 48 : index
      %swap3A_111 = tpu.vector_load %arg14[%swap3A_110] {strides = array<i32>} : memref<128xi32, #tpu.memory_space<vmem>>, vector<16xi32>,
      %swap3A_112 = vector.shape_cast %swap3A_111 : vector<16xi32> to vector<16xi32>
      %swap3A_113 = vector.shape_cast %select_n3A_109 : vector<16xi32> to vector<16xi32>
      tpu.vector_store %arg14[%swap3A_110], %swap3A_113 {strides = array<i32>} : memref<128xi32, #tpu.memory_space<vmem>>, vector<16xi32>,
      %get3A_114 = arith.constant 64 : index
      %get3A_115 = tpu.vector_load %arg14[%get3A_114] {strides = array<i32>} : memref<128xi32, #tpu.memory_space<vmem>>, vector<16xi32>,
      %get3A_116 = vector.shape_cast %get3A_115 : vector<16xi32> to vector<16xi32>
      %sub3A_117 = vector.broadcast %mul3A_0 : i32 to vector<16xi32>
      %sub3A_118 = arith.subi %get3A_116, %sub3A_117 : vector<16xi32>
      %ge3A_119 = arith.constant 0 : i32
      %ge3A_120 = vector.broadcast %ge3A_119 : i32 to vector<16xi32>
      %ge3A_121 = arith.cmpi sge, %sub3A_118, %ge3A_120 : vector<16xi32>
      %lt3A_122 = arith.constant 5000 : i32
      %lt3A_123 = vector.broadcast %lt3A_122 : i32 to vector<16xi32>
      %lt3A_124 = arith.cmpi slt, %sub3A_118, %lt3A_123 : vector<16xi32>
      %and3A_125 = arith.andi %ge3A_121, %lt3A_124 : vector<16xi1>
      %jit3A_126 = arith.constant 5000 : i32
      %broadcast_in_dim3A_127 = vector.broadcast %jit3A_126 : i32 to vector<16xi32>
      %select_n3A_128 = arith.select %and3A_125, %sub3A_118, %broadcast_in_dim3A_127 : vector<16xi1>, vector<16xi32>
      %swap3A_129 = arith.constant 64 : index
      %swap3A_130 = tpu.vector_load %arg14[%swap3A_129] {strides = array<i32>} : memref<128xi32, #tpu.memory_space<vmem>>, vector<16xi32>,
      %swap3A_131 = vector.shape_cast %swap3A_130 : vector<16xi32> to vector<16xi32>
      %swap3A_132 = vector.shape_cast %select_n3A_128 : vector<16xi32> to vector<16xi32>
      tpu.vector_store %arg14[%swap3A_129], %swap3A_132 {strides = array<i32>} : memref<128xi32, #tpu.memory_space<vmem>>, vector<16xi32>,
      %get3A_133 = arith.constant 80 : index
      %get3A_134 = tpu.vector_load %arg14[%get3A_133] {strides = array<i32>} : memref<128xi32, #tpu.memory_space<vmem>>, vector<16xi32>,
      %get3A_135 = vector.shape_cast %get3A_134 : vector<16xi32> to vector<16xi32>
      %sub3A_136 = vector.broadcast %mul3A_0 : i32 to vector<16xi32>
      %sub3A_137 = arith.subi %get3A_135, %sub3A_136 : vector<16xi32>
      %ge3A_138 = arith.constant 0 : i32
      %ge3A_139 = vector.broadcast %ge3A_138 : i32 to vector<16xi32>
      %ge3A_140 = arith.cmpi sge, %sub3A_137, %ge3A_139 : vector<16xi32>
      %lt3A_141 = arith.constant 5000 : i32
      %lt3A_142 = vector.broadcast %lt3A_141 : i32 to vector<16xi32>
      %lt3A_143 = arith.cmpi slt, %sub3A_137, %lt3A_142 : vector<16xi32>
      %and3A_144 = arith.andi %ge3A_140, %lt3A_143 : vector<16xi1>
      %jit3A_145 = arith.constant 5000 : i32
      %broadcast_in_dim3A_146 = vector.broadcast %jit3A_145 : i32 to vector<16xi32>
      %select_n3A_147 = arith.select %and3A_144, %sub3A_137, %broadcast_in_dim3A_146 : vector<16xi1>, vector<16xi32>
      %swap3A_148 = arith.constant 80 : index
      %swap3A_149 = tpu.vector_load %arg14[%swap3A_148] {strides = array<i32>} : memref<128xi32, #tpu.memory_space<vmem>>, vector<16xi32>,
      %swap3A_150 = vector.shape_cast %swap3A_149 : vector<16xi32> to vector<16xi32>
      %swap3A_151 = vector.shape_cast %select_n3A_147 : vector<16xi32> to vector<16xi32>
      tpu.vector_store %arg14[%swap3A_148], %swap3A_151 {strides = array<i32>} : memref<128xi32, #tpu.memory_space<vmem>>, vector<16xi32>,
      %get3A_152 = arith.constant 96 : index
      %get3A_153 = tpu.vector_load %arg14[%get3A_152] {strides = array<i32>} : memref<128xi32, #tpu.memory_space<vmem>>, vector<16xi32>,
      %get3A_154 = vector.shape_cast %get3A_153 : vector<16xi32> to vector<16xi32>
      %sub3A_155 = vector.broadcast %mul3A_0 : i32 to vector<16xi32>
      %sub3A_156 = arith.subi %get3A_154, %sub3A_155 : vector<16xi32>
      %ge3A_157 = arith.constant 0 : i32
      %ge3A_158 = vector.broadcast %ge3A_157 : i32 to vector<16xi32>
      %ge3A_159 = arith.cmpi sge, %sub3A_156, %ge3A_158 : vector<16xi32>
      %lt3A_160 = arith.constant 5000 : i32
      %lt3A_161 = vector.broadcast %lt3A_160 : i32 to vector<16xi32>
      %lt3A_162 = arith.cmpi slt, %sub3A_156, %lt3A_161 : vector<16xi32>
      %and3A_163 = arith.andi %ge3A_159, %lt3A_162 : vector<16xi1>
      %jit3A_164 = arith.constant 5000 : i32
      %broadcast_in_dim3A_165 = vector.broadcast %jit3A_164 : i32 to vector<16xi32>
      %select_n3A_166 = arith.select %and3A_163, %sub3A_156, %broadcast_in_dim3A_165 : vector<16xi1>, vector<16xi32>
      %swap3A_167 = arith.constant 96 : index
      %swap3A_168 = tpu.vector_load %arg14[%swap3A_167] {strides = array<i32>} : memref<128xi32, #tpu.memory_space<vmem>>, vector<16xi32>,
      %swap3A_169 = vector.shape_cast %swap3A_168 : vector<16xi32> to vector<16xi32>
      %swap3A_170 = vector.shape_cast %select_n3A_166 : vector<16xi32> to vector<16xi32>
      tpu.vector_store %arg14[%swap3A_167], %swap3A_170 {strides = array<i32>} : memref<128xi32, #tpu.memory_space<vmem>>, vector<16xi32>,
      %get3A_171 = arith.constant 112 : index
      %get3A_172 = tpu.vector_load %arg14[%get3A_171] {strides = array<i32>} : memref<128xi32, #tpu.memory_space<vmem>>, vector<16xi32>,
      %get3A_173 = vector.shape_cast %get3A_172 : vector<16xi32> to vector<16xi32>
      %sub3A_174 = vector.broadcast %mul3A_0 : i32 to vector<16xi32>
      %sub3A_175 = arith.subi %get3A_173, %sub3A_174 : vector<16xi32>
      %ge3A_176 = arith.constant 0 : i32
      %ge3A_177 = vector.broadcast %ge3A_176 : i32 to vector<16xi32>
      %ge3A_178 = arith.cmpi sge, %sub3A_175, %ge3A_177 : vector<16xi32>
      %lt3A_179 = arith.constant 5000 : i32
      %lt3A_180 = vector.broadcast %lt3A_179 : i32 to vector<16xi32>
      %lt3A_181 = arith.cmpi slt, %sub3A_175, %lt3A_180 : vector<16xi32>
      %and3A_182 = arith.andi %ge3A_178, %lt3A_181 : vector<16xi1>
      %jit3A_183 = arith.constant 5000 : i32
      %broadcast_in_dim3A_184 = vector.broadcast %jit3A_183 : i32 to vector<16xi32>
      %select_n3A_185 = arith.select %and3A_182, %sub3A_175, %broadcast_in_dim3A_184 : vector<16xi1>, vector<16xi32>
      %swap3A_186 = arith.constant 112 : index
      %swap3A_187 = tpu.vector_load %arg14[%swap3A_186] {strides = array<i32>} : memref<128xi32, #tpu.memory_space<vmem>>, vector<16xi32>,
      %swap3A_188 = vector.shape_cast %swap3A_187 : vector<16xi32> to vector<16xi32>
      %swap3A_189 = vector.shape_cast %select_n3A_185 : vector<16xi32> to vector<16xi32>
      tpu.vector_store %arg14[%swap3A_186], %swap3A_189 {strides = array<i32>} : memref<128xi32, #tpu.memory_space<vmem>>, vector<16xi32>,
      %dma_wait3A = arith.constant 0 : i32
      %dma_wait3A_190 = arith.constant 0 : i32
      %dma_wait3A_191 = tpu.memref_slice %arg3[%dma_wait3A, %dma_wait3A_190] : memref<10000x128xf32, #tpu.memory_space<hbm>> -> memref<10000x128xf32, #tpu.memory_space<hbm>>
      tpu.wait_indirect_dma semaphore(%arg17 : memref<!tpu.dma_semaphore, #tpu.memory_space<semaphore_mem>>) src(%dma_wait3A_191 : memref<10000x128xf32, #tpu.memory_space<hbm>>) dst(%arg15 : memref<128x128xf32, #tpu.memory_space<vmem>>)
      "tpu.region"() ({
        %run_scoped3A_192 = tpu.sem_alloc : memref<!tpu.dma_semaphore, #tpu.memory_space<semaphore_mem>>
        %dma_start3A_193 = arith.constant 0 : i32
        %dma_start3A_194 = arith.constant 0 : i32
        %dma_start3A_195 = tpu.memref_slice %arg11[%dma_start3A_193, %dma_start3A_194] : memref<5120x128xf32, #tpu.memory_space<vmem_shared>> -> memref<5120x128xf32, #tpu.memory_space<vmem_shared>>
        tpu.enqueue_indirect_dma source(%arg15 : memref<128x128xf32, #tpu.memory_space<vmem>>) target(%dma_start3A_195 : memref<5120x128xf32, #tpu.memory_space<vmem_shared>>) offsets(%arg14 : memref<128xi32, #tpu.memory_space<vmem>>) semaphore(%run_scoped3A_192 : memref<!tpu.dma_semaphore, #tpu.memory_space<semaphore_mem>>) {add = true}
        %dma_wait3A_196 = arith.constant 0 : i32
        %dma_wait3A_197 = arith.constant 0 : i32
        %dma_wait3A_198 = tpu.memref_slice %arg11[%dma_wait3A_196, %dma_wait3A_197] : memref<5120x128xf32, #tpu.memory_space<vmem_shared>> -> memref<5120x128xf32, #tpu.memory_space<vmem_shared>>
        tpu.wait_indirect_dma semaphore(%run_scoped3A_192 : memref<!tpu.dma_semaphore, #tpu.memory_space<semaphore_mem>>) src(%arg15 : memref<128x128xf32, #tpu.memory_space<vmem>>) dst(%dma_wait3A_198 : memref<5120x128xf32, #tpu.memory_space<vmem_shared>>)
        tpu.yield
      }) : () -> ()
      "tpu.region"() ({
        %run_scoped3A_192 = tpu.sem_alloc : memref<!tpu.dma_semaphore, #tpu.memory_space<semaphore_mem>>
        %dma_start3A_193 = arith.constant 0 : i32
        %dma_start3A_194 = arith.constant 0 : i32
        %dma_start3A_195 = tpu.memref_slice %arg12[%dma_start3A_193, %dma_start3A_194] : memref<5120x128xf32, #tpu.memory_space<vmem_shared>> -> memref<5120x128xf32, #tpu.memory_space<vmem_shared>>
        tpu.enqueue_indirect_dma source(%arg16 : memref<128x128xf32, #tpu.memory_space<vmem>>) target(%dma_start3A_195 : memref<5120x128xf32, #tpu.memory_space<vmem_shared>>) offsets(%arg14 : memref<128xi32, #tpu.memory_space<vmem>>) semaphore(%run_scoped3A_192 : memref<!tpu.dma_semaphore, #tpu.memory_space<semaphore_mem>>) {add = true}
        %dma_wait3A_196 = arith.constant 0 : i32
        %dma_wait3A_197 = arith.constant 0 : i32
        %dma_wait3A_198 = tpu.memref_slice %arg12[%dma_wait3A_196, %dma_wait3A_197] : memref<5120x128xf32, #tpu.memory_space<vmem_shared>> -> memref<5120x128xf32, #tpu.memory_space<vmem_shared>>
        tpu.wait_indirect_dma semaphore(%run_scoped3A_192 : memref<!tpu.dma_semaphore, #tpu.memory_space<semaphore_mem>>) src(%arg16 : memref<128x128xf32, #tpu.memory_space<vmem>>) dst(%dma_wait3A_198 : memref<5120x128xf32, #tpu.memory_space<vmem_shared>>)
        tpu.yield
      }) : () -> ()
    }
    %scan3A_37 = arith.constant 157 : i32
    %barrier3A_38 = arith.constant 0 : index
    tpu.barrier barrier_id(%barrier3A_38)
    %run_scoped3A_39 = arith.constant 2 : i32
    "tpu.region"() ({
      %run_scoped3A_41 = tpu.sem_alloc : memref<!tpu.dma_semaphore, #tpu.memory_space<semaphore_mem>>
      %dma_start3A = arith.constant 0 : i32
      %dma_start3A_42 = tpu.memref_slice %arg9[%run_scoped3A_39, %arg0, %mul3A_2, %dma_start3A] : memref<3x2x5120x128xf32, #tpu.memory_space<hbm>> -> memref<1x1x320x128xf32, #tpu.memory_space<hbm>>
      %dma_start3A_43 = tpu.memref_squeeze %dma_start3A_42 : memref<1x1x320x128xf32, #tpu.memory_space<hbm>> -> memref<320x128xf32, #tpu.memory_space<hbm>>
      %dma_start3A_44 = arith.constant 0 : i32
      %dma_start3A_45 = tpu.memref_slice %arg11[%mul3A_2, %dma_start3A_44] : memref<5120x128xf32, #tpu.memory_space<vmem_shared>> -> memref<320x128xf32, #tpu.memory_space<vmem_shared>>
      tpu.enqueue_dma source(%dma_start3A_45 : memref<320x128xf32, #tpu.memory_space<vmem_shared>>) target(%dma_start3A_43 : memref<320x128xf32, #tpu.memory_space<hbm>>) target_semaphore(%run_scoped3A_41 : memref<!tpu.dma_semaphore, #tpu.memory_space<semaphore_mem>>)
      %dma_wait3A = arith.constant 0 : i32
      %dma_wait3A_46 = tpu.memref_slice %arg9[%run_scoped3A_39, %arg0, %mul3A_2, %dma_wait3A] : memref<3x2x5120x128xf32, #tpu.memory_space<hbm>> -> memref<1x1x320x128xf32, #tpu.memory_space<hbm>>
      %dma_wait3A_47 = tpu.memref_squeeze %dma_wait3A_46 : memref<1x1x320x128xf32, #tpu.memory_space<hbm>> -> memref<320x128xf32, #tpu.memory_space<hbm>>
      %dma_wait3A_48 = arith.constant 0 : i32
      %dma_wait3A_49 = tpu.memref_slice %arg11[%mul3A_2, %dma_wait3A_48] : memref<5120x128xf32, #tpu.memory_space<vmem_shared>> -> memref<320x128xf32, #tpu.memory_space<vmem_shared>>
      tpu.wait_dma2 semaphore(%run_scoped3A_41 : memref<!tpu.dma_semaphore, #tpu.memory_space<semaphore_mem>>) src(%dma_wait3A_49 : memref<320x128xf32, #tpu.memory_space<vmem_shared>>) dst(%dma_wait3A_47 : memref<320x128xf32, #tpu.memory_space<hbm>>)
      tpu.yield
    }) : () -> ()
    %run_scoped3A_40 = arith.constant 2 : i32
    "tpu.region"() ({
      %run_scoped3A_41 = tpu.sem_alloc : memref<!tpu.dma_semaphore, #tpu.memory_space<semaphore_mem>>
      %dma_start3A = arith.constant 0 : i32
      %dma_start3A_42 = tpu.memref_slice %arg10[%run_scoped3A_40, %arg0, %mul3A_2, %dma_start3A] : memref<3x2x5120x128xf32, #tpu.memory_space<hbm>> -> memref<1x1x320x128xf32, #tpu.memory_space<hbm>>
      %dma_start3A_43 = tpu.memref_squeeze %dma_start3A_42 : memref<1x1x320x128xf32, #tpu.memory_space<hbm>> -> memref<320x128xf32, #tpu.memory_space<hbm>>
      %dma_start3A_44 = arith.constant 0 : i32
      %dma_start3A_45 = tpu.memref_slice %arg12[%mul3A_2, %dma_start3A_44] : memref<5120x128xf32, #tpu.memory_space<vmem_shared>> -> memref<320x128xf32, #tpu.memory_space<vmem_shared>>
      tpu.enqueue_dma source(%dma_start3A_45 : memref<320x128xf32, #tpu.memory_space<vmem_shared>>) target(%dma_start3A_43 : memref<320x128xf32, #tpu.memory_space<hbm>>) target_semaphore(%run_scoped3A_41 : memref<!tpu.dma_semaphore, #tpu.memory_space<semaphore_mem>>)
      %dma_wait3A = arith.constant 0 : i32
      %dma_wait3A_46 = tpu.memref_slice %arg10[%run_scoped3A_40, %arg0, %mul3A_2, %dma_wait3A] : memref<3x2x5120x128xf32, #tpu.memory_space<hbm>> -> memref<1x1x320x128xf32, #tpu.memory_space<hbm>>
      %dma_wait3A_47 = tpu.memref_squeeze %dma_wait3A_46 : memref<1x1x320x128xf32, #tpu.memory_space<hbm>> -> memref<320x128xf32, #tpu.memory_space<hbm>>
      %dma_wait3A_48 = arith.constant 0 : i32
      %dma_wait3A_49 = tpu.memref_slice %arg12[%mul3A_2, %dma_wait3A_48] : memref<5120x128xf32, #tpu.memory_space<vmem_shared>> -> memref<320x128xf32, #tpu.memory_space<vmem_shared>>
      tpu.wait_dma2 semaphore(%run_scoped3A_41 : memref<!tpu.dma_semaphore, #tpu.memory_space<semaphore_mem>>) src(%dma_wait3A_49 : memref<320x128xf32, #tpu.memory_space<vmem_shared>>) dst(%dma_wait3A_47 : memref<320x128xf32, #tpu.memory_space<hbm>>)
      tpu.yield
    }) : () -> ()
    return
  }
}

module attributes {stable_mosaic.version = 14 : i64} {
  func.func @body(%arg0: i32, %arg1: memref<400x128xf32, #tpu.memory_space<vmem>>, %arg2: memref<128x128xf32, #tpu.memory_space<vmem>>, %arg3: memref<1x128xf32, #tpu.memory_space<vmem>>, %arg4: memref<400x128xf32, #tpu.memory_space<vmem>>) attributes {dimension_semantics = [#tpu.dimension_semantics<arbitrary>], iteration_bounds = array<i64: 25>, scalar_prefetch = 0 : i64, scratch_operands = 0 : i64, tpu.core_type = #tpu.core_type<tc>, window_params = [{transform_indices = @transform_0, window_bounds = array<i64: 400, 128>}, {pipeline_mode = #tpu.pipeline_mode<synchronous>, transform_indices = @transform_1, window_bounds = array<i64: 128, 128>}, {pipeline_mode = #tpu.pipeline_mode<synchronous>, transform_indices = @transform_2, window_bounds = array<i64: 1, 128>}, {transform_indices = @transform_3, window_bounds = array<i64: 400, 128>}]} {
    %get3A = arith.constant 0 : index
    %get3A_0 = arith.constant 0 : index
    %get3A_1 = vector.load %arg1[%get3A, %get3A_0] : memref<400x128xf32, #tpu.memory_space<vmem>>, vector<400x128xf32>
    %get3A_2 = arith.constant 0 : index
    %get3A_3 = arith.constant 0 : index
    %get3A_4 = vector.load %arg2[%get3A_2, %get3A_3] : memref<128x128xf32, #tpu.memory_space<vmem>>, vector<128x128xf32>
    %dot_general3A = arith.constant dense<0.000000e+00> : vector<400x128xf32>
    %dot_general3A_5 = tpu.matmul %get3A_1, %get3A_4, %dot_general3A {dimension_numbers = #tpu.dot_dimension_numbers<[1], [0], [0], [1], [0, 0, 1, 1], [], []>, transpose_lhs_hint = false} : vector<400x128xf32>, vector<128x128xf32>, vector<400x128xf32> -> vector<400x128xf32>
    %get3A_6 = arith.constant 0 : index
    %get3A_7 = arith.constant 0 : index
    %get3A_8 = vector.load %arg3[%get3A_6, %get3A_7] : memref<1x128xf32, #tpu.memory_space<vmem>>, vector<1x128xf32>
    %add3A = vector.broadcast %get3A_8 : vector<1x128xf32> to vector<400x128xf32>
    %add3A_9 = arith.addf %dot_general3A_5, %add3A : vector<400x128xf32>
    %swap3A = arith.constant 0 : index
    %swap3A_10 = arith.constant 0 : index
    %swap3A_11 = vector.load %arg4[%swap3A, %swap3A_10] : memref<400x128xf32, #tpu.memory_space<vmem>>, vector<400x128xf32>
    tpu.vector_store %arg4[%swap3A, %swap3A_10], %add3A_9 {strides = array<i32>} : memref<400x128xf32, #tpu.memory_space<vmem>>, vector<400x128xf32>,
    return
  }
  func.func @transform_0(%arg0: i32) -> (i32, i32) {
    %c0_i32 = arith.constant 0 : i32
    %c0_i32_0 = arith.constant 0 : i32
    return %arg0, %c0_i32 : i32, i32
  }
  func.func @transform_1(%arg0: i32) -> (i32, i32) {
    %c0_i32 = arith.constant 0 : i32
    %c0_i32_0 = arith.constant 0 : i32
    %c0_i32_1 = arith.constant 0 : i32
    return %c0_i32, %c0_i32_0 : i32, i32
  }
  func.func @transform_2(%arg0: i32) -> (i32, i32) {
    %c0_i32 = arith.constant 0 : i32
    %c0_i32_0 = arith.constant 0 : i32
    %c0_i32_1 = arith.constant 0 : i32
    return %c0_i32, %c0_i32_0 : i32, i32
  }
  func.func @transform_3(%arg0: i32) -> (i32, i32) {
    %c0_i32 = arith.constant 0 : i32
    %c0_i32_0 = arith.constant 0 : i32
    return %arg0, %c0_i32 : i32, i32
  }
}

module attributes {stable_mosaic.version = 14 : i64} {
  func.func @body(%arg0: i32, %arg1: memref<1000x128xf32, #tpu.memory_space<vmem>>, %arg2: memref<1000x128xf32, #tpu.memory_space<vmem>>, %arg3: memref<3x1x1000x128xf32, #tpu.memory_space<vmem>>, %arg4: memref<3x1x1000x128xf32, #tpu.memory_space<vmem>>, %arg5: memref<1000x128xf32, #tpu.memory_space<vmem>>, %arg6: memref<1000x128xf32, #tpu.memory_space<vmem>>) attributes {dimension_semantics = [#tpu.dimension_semantics<arbitrary>], iteration_bounds = array<i64: 10>, scalar_prefetch = 0 : i64, scratch_operands = 0 : i64, tpu.core_type = #tpu.core_type<tc>, window_params = [{transform_indices = @transform_0, window_bounds = array<i64: 1000, 128>}, {transform_indices = @transform_1, window_bounds = array<i64: 1000, 128>}, {transform_indices = @transform_2, window_bounds = array<i64: 3, 1, 1000, 128>}, {transform_indices = @transform_3, window_bounds = array<i64: 3, 1, 1000, 128>}, {transform_indices = @transform_4, window_bounds = array<i64: 1000, 128>}, {transform_indices = @transform_5, window_bounds = array<i64: 1000, 128>}]} {
    %get3A = arith.constant 0 : index
    %get3A_0 = arith.constant 0 : index
    %get3A_1 = arith.constant 0 : index
    %get3A_2 = arith.constant 0 : index
    %get3A_3 = vector.load %arg3[%get3A, %get3A_0, %get3A_1, %get3A_2] : memref<3x1x1000x128xf32, #tpu.memory_space<vmem>>, vector<3x1x1000x128xf32>
    %get3A_4 = arith.constant 0 : index
    %get3A_5 = arith.constant 0 : index
    %get3A_6 = arith.constant 0 : index
    %get3A_7 = arith.constant 0 : index
    %get3A_8 = vector.load %arg4[%get3A_4, %get3A_5, %get3A_6, %get3A_7] : memref<3x1x1000x128xf32, #tpu.memory_space<vmem>>, vector<3x1x1000x128xf32>
    %get3A_9 = arith.constant 0 : index
    %get3A_10 = arith.constant 0 : index
    %get3A_11 = vector.load %arg1[%get3A_9, %get3A_10] : memref<1000x128xf32, #tpu.memory_space<vmem>>, vector<1000x128xf32>
    %slice3A = vector.extract_strided_slice %get3A_8 {offsets = [0, 0, 0, 0], sizes = [1, 1, 1000, 1], strides = [1, 1, 1, 1]} : vector<3x1x1000x128xf32> to vector<1x1x1000x1xf32>
    %squeeze3A = vector.shape_cast %slice3A : vector<1x1x1000x1xf32> to vector<1000x1xf32>
    %max3A = arith.constant 1.000000e+00 : f32
    %max3A_12 = vector.broadcast %max3A : f32 to vector<1000x1xf32>
    %max3A_13 = arith.maximumf %squeeze3A, %max3A_12 : vector<1000x1xf32>
    %slice3A_14 = vector.extract_strided_slice %get3A_3 {offsets = [0, 0, 0, 0], sizes = [1, 1, 1000, 128], strides = [1, 1, 1, 1]} : vector<3x1x1000x128xf32> to vector<1x1x1000x128xf32>
    %squeeze3A_15 = vector.shape_cast %slice3A_14 : vector<1x1x1000x128xf32> to vector<1000x128xf32>
    %div3A = vector.broadcast %max3A_13 : vector<1000x1xf32> to vector<1000x128xf32>
    %div3A_16 = arith.divf %squeeze3A_15, %div3A : vector<1000x128xf32>
    %add3A = arith.addf %get3A_11, %div3A_16 : vector<1000x128xf32>
    %slice3A_17 = vector.extract_strided_slice %get3A_8 {offsets = [2, 0, 0, 0], sizes = [1, 1, 1000, 1], strides = [1, 1, 1, 1]} : vector<3x1x1000x128xf32> to vector<1x1x1000x1xf32>
    %squeeze3A_18 = vector.shape_cast %slice3A_17 : vector<1x1x1000x1xf32> to vector<1000x1xf32>
    %max3A_19 = arith.constant 1.000000e+00 : f32
    %max3A_20 = vector.broadcast %max3A_19 : f32 to vector<1000x1xf32>
    %max3A_21 = arith.maximumf %squeeze3A_18, %max3A_20 : vector<1000x1xf32>
    %slice3A_22 = vector.extract_strided_slice %get3A_3 {offsets = [2, 0, 0, 0], sizes = [1, 1, 1000, 128], strides = [1, 1, 1, 1]} : vector<3x1x1000x128xf32> to vector<1x1x1000x128xf32>
    %squeeze3A_23 = vector.shape_cast %slice3A_22 : vector<1x1x1000x128xf32> to vector<1000x128xf32>
    %div3A_24 = vector.broadcast %max3A_21 : vector<1000x1xf32> to vector<1000x128xf32>
    %div3A_25 = arith.divf %squeeze3A_23, %div3A_24 : vector<1000x128xf32>
    %add3A_26 = arith.addf %add3A, %div3A_25 : vector<1000x128xf32>
    %max3A_27 = arith.constant 0.000000e+00 : f32
    %max3A_28 = vector.broadcast %max3A_27 : f32 to vector<1000x128xf32>
    %max3A_29 = arith.maximumf %add3A_26, %max3A_28 : vector<1000x128xf32>
    %swap3A = arith.constant 0 : index
    %swap3A_30 = arith.constant 0 : index
    %swap3A_31 = vector.load %arg5[%swap3A, %swap3A_30] : memref<1000x128xf32, #tpu.memory_space<vmem>>, vector<1000x128xf32>
    tpu.vector_store %arg5[%swap3A, %swap3A_30], %max3A_29 {strides = array<i32>} : memref<1000x128xf32, #tpu.memory_space<vmem>>, vector<1000x128xf32>,
    %get3A_32 = arith.constant 0 : index
    %get3A_33 = arith.constant 0 : index
    %get3A_34 = vector.load %arg2[%get3A_32, %get3A_33] : memref<1000x128xf32, #tpu.memory_space<vmem>>, vector<1000x128xf32>
    %slice3A_35 = vector.extract_strided_slice %get3A_8 {offsets = [1, 0, 0, 0], sizes = [1, 1, 1000, 1], strides = [1, 1, 1, 1]} : vector<3x1x1000x128xf32> to vector<1x1x1000x1xf32>
    %squeeze3A_36 = vector.shape_cast %slice3A_35 : vector<1x1x1000x1xf32> to vector<1000x1xf32>
    %max3A_37 = arith.constant 1.000000e+00 : f32
    %max3A_38 = vector.broadcast %max3A_37 : f32 to vector<1000x1xf32>
    %max3A_39 = arith.maximumf %squeeze3A_36, %max3A_38 : vector<1000x1xf32>
    %slice3A_40 = vector.extract_strided_slice %get3A_3 {offsets = [1, 0, 0, 0], sizes = [1, 1, 1000, 128], strides = [1, 1, 1, 1]} : vector<3x1x1000x128xf32> to vector<1x1x1000x128xf32>
    %squeeze3A_41 = vector.shape_cast %slice3A_40 : vector<1x1x1000x128xf32> to vector<1000x128xf32>
    %div3A_42 = vector.broadcast %max3A_39 : vector<1000x1xf32> to vector<1000x128xf32>
    %div3A_43 = arith.divf %squeeze3A_41, %div3A_42 : vector<1000x128xf32>
    %add3A_44 = arith.addf %get3A_34, %div3A_43 : vector<1000x128xf32>
    %max3A_45 = arith.constant 0.000000e+00 : f32
    %max3A_46 = vector.broadcast %max3A_45 : f32 to vector<1000x128xf32>
    %max3A_47 = arith.maximumf %add3A_44, %max3A_46 : vector<1000x128xf32>
    %swap3A_48 = arith.constant 0 : index
    %swap3A_49 = arith.constant 0 : index
    %swap3A_50 = vector.load %arg6[%swap3A_48, %swap3A_49] : memref<1000x128xf32, #tpu.memory_space<vmem>>, vector<1000x128xf32>
    tpu.vector_store %arg6[%swap3A_48, %swap3A_49], %max3A_47 {strides = array<i32>} : memref<1000x128xf32, #tpu.memory_space<vmem>>, vector<1000x128xf32>,
    return
  }
  func.func @transform_0(%arg0: i32) -> (i32, i32) {
    %c0_i32 = arith.constant 0 : i32
    %c0_i32_0 = arith.constant 0 : i32
    return %arg0, %c0_i32 : i32, i32
  }
  func.func @transform_1(%arg0: i32) -> (i32, i32) {
    %c0_i32 = arith.constant 0 : i32
    %c0_i32_0 = arith.constant 0 : i32
    return %arg0, %c0_i32 : i32, i32
  }
  func.func @transform_2(%arg0: i32) -> (i32, i32, i32, i32) {
    %jit3A = arith.constant 5 : i32
    %div3A = arith.divsi %arg0, %jit3A : i32
    %sign3A = arith.constant 0 : i32
    %sign3A_0 = arith.cmpi sgt, %arg0, %sign3A : i32
    %sign3A_1 = arith.extui %sign3A_0 : i1 to i32
    %sign3A_2 = arith.constant 0 : i32
    %sign3A_3 = arith.cmpi slt, %arg0, %sign3A_2 : i32
    %sign3A_4 = arith.extui %sign3A_3 : i1 to i32
    %sign3A_5 = arith.subi %sign3A_1, %sign3A_4 : i32
    %sign3A_6 = arith.constant 0 : i32
    %sign3A_7 = arith.cmpi sgt, %jit3A, %sign3A_6 : i32
    %sign3A_8 = arith.extui %sign3A_7 : i1 to i32
    %sign3A_9 = arith.constant 0 : i32
    %sign3A_10 = arith.cmpi slt, %jit3A, %sign3A_9 : i32
    %sign3A_11 = arith.extui %sign3A_10 : i1 to i32
    %sign3A_12 = arith.subi %sign3A_8, %sign3A_11 : i32
    %ne3A = arith.cmpi ne, %sign3A_5, %sign3A_12 : i32
    %rem3A = arith.remsi %arg0, %jit3A : i32
    %ne3A_13 = arith.constant 0 : i32
    %ne3A_14 = arith.cmpi ne, %rem3A, %ne3A_13 : i32
    %and3A = arith.andi %ne3A, %ne3A_14 : i1
    %sub3A = arith.constant 1 : i32
    %sub3A_15 = arith.subi %div3A, %sub3A : i32
    %select_n3A = arith.select %and3A, %sub3A_15, %div3A : i32
    %jit3A_16 = arith.constant 5 : i32
    %eq3A = arith.constant 0 : i32
    %eq3A_17 = arith.cmpi eq, %jit3A_16, %eq3A : i32
    %jit3A_18 = arith.constant 1 : i32
    %select_n3A_19 = arith.select %eq3A_17, %jit3A_18, %jit3A_16 : i32
    %rem3A_20 = arith.remsi %arg0, %select_n3A_19 : i32
    %ne3A_21 = arith.constant 0 : i32
    %ne3A_22 = arith.cmpi ne, %rem3A_20, %ne3A_21 : i32
    %lt3A = arith.constant 0 : i32
    %lt3A_23 = arith.cmpi slt, %rem3A_20, %lt3A : i32
    %lt3A_24 = arith.constant 0 : i32
    %lt3A_25 = arith.cmpi slt, %select_n3A_19, %lt3A_24 : i32
    %ne3A_26 = arith.xori %lt3A_23, %lt3A_25 : i1
    %and3A_27 = arith.andi %ne3A_26, %ne3A_22 : i1
    %add3A = arith.addi %rem3A_20, %select_n3A_19 : i32
    %select_n3A_28 = arith.select %and3A_27, %add3A, %rem3A_20 : i32
    %c0_i32 = arith.constant 0 : i32
    %c0_i32_29 = arith.constant 0 : i32
    %c0_i32_30 = arith.constant 0 : i32
    return %c0_i32, %select_n3A, %select_n3A_28, %c0_i32_29 : i32, i32, i32, i32
  }
  func.func @transform_3(%arg0: i32) -> (i32, i32, i32, i32) {
    %jit3A = arith.constant 5 : i32
    %div3A = arith.divsi %arg0, %jit3A : i32
    %sign3A = arith.constant 0 : i32
    %sign3A_0 = arith.cmpi sgt, %arg0, %sign3A : i32
    %sign3A_1 = arith.extui %sign3A_0 : i1 to i32
    %sign3A_2 = arith.constant 0 : i32
    %sign3A_3 = arith.cmpi slt, %arg0, %sign3A_2 : i32
    %sign3A_4 = arith.extui %sign3A_3 : i1 to i32
    %sign3A_5 = arith.subi %sign3A_1, %sign3A_4 : i32
    %sign3A_6 = arith.constant 0 : i32
    %sign3A_7 = arith.cmpi sgt, %jit3A, %sign3A_6 : i32
    %sign3A_8 = arith.extui %sign3A_7 : i1 to i32
    %sign3A_9 = arith.constant 0 : i32
    %sign3A_10 = arith.cmpi slt, %jit3A, %sign3A_9 : i32
    %sign3A_11 = arith.extui %sign3A_10 : i1 to i32
    %sign3A_12 = arith.subi %sign3A_8, %sign3A_11 : i32
    %ne3A = arith.cmpi ne, %sign3A_5, %sign3A_12 : i32
    %rem3A = arith.remsi %arg0, %jit3A : i32
    %ne3A_13 = arith.constant 0 : i32
    %ne3A_14 = arith.cmpi ne, %rem3A, %ne3A_13 : i32
    %and3A = arith.andi %ne3A, %ne3A_14 : i1
    %sub3A = arith.constant 1 : i32
    %sub3A_15 = arith.subi %div3A, %sub3A : i32
    %select_n3A = arith.select %and3A, %sub3A_15, %div3A : i32
    %jit3A_16 = arith.constant 5 : i32
    %eq3A = arith.constant 0 : i32
    %eq3A_17 = arith.cmpi eq, %jit3A_16, %eq3A : i32
    %jit3A_18 = arith.constant 1 : i32
    %select_n3A_19 = arith.select %eq3A_17, %jit3A_18, %jit3A_16 : i32
    %rem3A_20 = arith.remsi %arg0, %select_n3A_19 : i32
    %ne3A_21 = arith.constant 0 : i32
    %ne3A_22 = arith.cmpi ne, %rem3A_20, %ne3A_21 : i32
    %lt3A = arith.constant 0 : i32
    %lt3A_23 = arith.cmpi slt, %rem3A_20, %lt3A : i32
    %lt3A_24 = arith.constant 0 : i32
    %lt3A_25 = arith.cmpi slt, %select_n3A_19, %lt3A_24 : i32
    %ne3A_26 = arith.xori %lt3A_23, %lt3A_25 : i1
    %and3A_27 = arith.andi %ne3A_26, %ne3A_22 : i1
    %add3A = arith.addi %rem3A_20, %select_n3A_19 : i32
    %select_n3A_28 = arith.select %and3A_27, %add3A, %rem3A_20 : i32
    %c0_i32 = arith.constant 0 : i32
    %c0_i32_29 = arith.constant 0 : i32
    %c0_i32_30 = arith.constant 0 : i32
    return %c0_i32, %select_n3A, %select_n3A_28, %c0_i32_29 : i32, i32, i32, i32
  }
  func.func @transform_4(%arg0: i32) -> (i32, i32) {
    %c0_i32 = arith.constant 0 : i32
    %c0_i32_0 = arith.constant 0 : i32
    return %arg0, %c0_i32 : i32, i32
  }
  func.func @transform_5(%arg0: i32) -> (i32, i32) {
    %c0_i32 = arith.constant 0 : i32
    %c0_i32_0 = arith.constant 0 : i32
    return %arg0, %c0_i32 : i32, i32
  }
}

</mosaic_0001>

<sc_bundles>
// kernel: kernel.6.cloned.1.call-start
scs
__scs_entry_jumppad:
0x0: {  	(pc) =	sbr.rel $0x88, $3  }
0x1: {  	(tag) =	ssettag $0x0;
	lr =	simm.s32 $0x1  }
0x2: {  	[smem:$0x3F99] =	sst lr;
	_ =	strace $0xD0000000  }
0x3: {  	_ = 	snop  }
0x4: {  	_ = 	snop  }
0x5: {  	_ = 	snop  }
0x6: {  	_ = 	snop  }
0x7: {  	_ = 	snop  }
__scs_overlays_trampoline_lowered:
0x8: {  	[smem:$0x3FA8] =	sst s0  }
0x9: {  	[smem:$0x3FA9] =	sst s1  }
0xa: {  	[smem:$0x3FAA] =	sst s2  }
0xb: {  	[smem:$0x3FAB] =	sst s3  }
0xc: {  	[smem:$0x3FAC] =	sst s4  }
0xd: {  	[smem:$0x3FAD] =	sst s5  }
0xe: {  	[smem:$0x3FAE] =	sst s6  }
0xf: {  	[smem:$0x3FAF] =	sst s7  }
0x10: {  	[smem:$0x3FB0] =	sst s8  }
0x11: {  	[smem:$0x3FB1] =	sst s9;
	s0 =	simm.s32 @!p0 $0x0  }
0x12: {  	s1 =	sld [smem:$0x3F97];
	s0 =	simm.s32 @p0 $0x1  }
0x13: {  	[smem:$0x3FB2] =	sst s0;
	s0 =	simm.s32 @!p1 $0x0  }
0x14: {  	s2 =	sld [smem:$0x3F96];
	s0 =	simm.s32 @p1 $0x1  }
0x15: {  	[smem:$0x3FB3] =	sst s0;
	s0 =	simm.s32 @!p2 $0x0  }
0x16: {  	s3 =	sld [smem:$0x3FDB];
	s0 =	simm.s32 @p2 $0x1  }
0x17: {  	s4 =	simm.s32 $0x1BF5;
	[smem:$0x3FB5] =	sst s0  }
0x18: {  	s0 =	sld [smem:$0x3F98];
	_ =	swait.ge [sflag:s4], $0x0  }
0x19: {  	s7 =	sld [smem:$0x3F99]  }
0x1a: {  	s8 =	sadd.s32 $0xFFFFE003, lr  }
0x1b: {  	s9 =	sadd.s32 $0xFFFFFEF7, lr;
	s5 =	simm.s32 $0xFFFFFFFF;
	p2 =	slt.u32 s8, $0xFFFFF086  }
0x1c: {  	p1 =	slt.u32 s9, $0xF7A;
	s5 =	simm.s32 @!p2 $0x0  }
0x1d: {  	s5 =	simm.s32 @p1 $0x1;
	p0 =	seq.s32 s7, s2  }
0x1e: {  	s7 =	smul.u32 @!p0 $0xF7A, s2;
	p2 =	seq.s32 @!p0 s5, $0x0  }
0x1f: {  	s9 =	smul.u32 $0xF7A, s1;
	s8 =	simm.s32 @!p0 $0x1BF5;
	p2 =	por !p2, p0  }
0x20: {  	[sflag:s8] =	ssyncset.s32 @!p0 $0xFFFFF086;
	s6 =	sadd.s32 @!p0 s3, s7;
	s7 =	simm.s32 @!p0 $0x108  }
0x21: {  	s3 =	sadd.s32 s3, s9;
	s6 =	sadd.s32 @!p0 $0x88, s6;
	s7 =	simm.s32 @p2 $0x1082  }
0x22: {  	[simem:s7], [sflag:s8] =	dma.local @!p0 [hbm:s6], $0xF7A  }
0x23: {  	s9 =	sor.u32 $0xD0000000, s2;
	s6 =	simm.s32 $0x108;
	_ =	swait.ge @!p0 [sflag:s8], $0x0  }
0x24: {  	s3 =	sadd.s32 $0x88, s3;
	s6 =	simm.s32 @!p1 $0x1082;
	[sflag:s4] =	ssyncset.s32 $0xFFFFF086  }
0x25: {  	[simem:s6], [sflag:s4] =	dma.local [hbm:s3], $0xF7A  }
0x26: {  	[smem:$0x3F99] =	sst s1;
	(tag) =	ssettag s2;
	_ =	strace s9  }
0x27: {  	s1 =	sld [smem:$0x3FA9]  }
0x28: {  	s2 =	sld [smem:$0x3FAA]  }
0x29: {  	s4 =	sld [smem:$0x3FAC]  }
0x2a: {  	p0 =	seq.s32 s5, $0x0;
	s5 =	sld [smem:$0x3FAD]  }
0x2b: {  	s6 =	sld [smem:$0x3FAE]  }
0x2c: {  	s7 =	sld [smem:$0x3FAF]  }
0x2d: {  	s3 =	simm.s32 $0x108;
	s8 =	sld [smem:$0x3FB0]  }
0x2e: {  	s3 =	simm.s32 @!p0 $0x1082;
	s9 =	sld [smem:$0x3FB1]  }
0x2f: {  	lr =	sadd.s32 s0, s3;
	s0 =	sld [smem:$0x3FA8]  }
0x30: {  	s3 =	sld [smem:$0x3FAB]  }
0x31: {  	[smem:$0x3FB4] =	sst s10  }
0x32: {  	s10 =	sld [smem:$0x3FB2];
	_ =	sdelay $0x3  }
0x33: {  	p0 =	seq.s32 s10, $0x1;
	s10 =	sld [smem:$0x3FB4];
	_ =	sdelay $0x3  }
0x34: {  	[smem:$0x3FB4] =	sst s10  }
0x35: {  	s10 =	sld [smem:$0x3FB3];
	_ =	sdelay $0x3  }
0x36: {  	p1 =	seq.s32 s10, $0x1;
	s10 =	sld [smem:$0x3FB4];
	_ =	sdelay $0x3  }
0x37: {  	[smem:$0x3FB4] =	sst s10  }
0x38: {  	s10 =	sld [smem:$0x3FB5]  }
0x39: {  	_ = 	snop;
	(pc) =	sbr.ind lr, $3  }
0x3a: {  	_ = 	snop  }
0x3b: {  	_ = 	snop  }
0x3c: {  	p2 =	seq.s32 s10, $0x1;
	s10 =	sld [smem:$0x3FB4]  }
0x3d: {  	_ =	shalt  }
0x3e: {  	_ =	shalt  }
0x3f: {  	_ =	shalt  }
0x40: {  	_ =	shalt  }
0x41: {  	_ =	shalt  }
0x42: {  	_ =	shalt  }
0x43: {  	_ =	shalt  }
0x44: {  	_ =	shalt  }
0x45: {  	_ =	shalt  }
0x46: {  	_ =	shalt  }
0x47: {  	_ =	shalt  }
0x48: {  	_ =	shalt  }
0x49: {  	_ =	shalt  }
0x4a: {  	_ =	shalt  }
0x4b: {  	_ =	shalt  }
0x4c: {  	_ =	shalt  }
0x4d: {  	_ =	shalt  }
0x4e: {  	_ =	shalt  }
0x4f: {  	_ =	shalt  }
0x50: {  	_ =	shalt  }
0x51: {  	_ =	shalt  }
0x52: {  	_ =	shalt  }
0x53: {  	_ =	shalt  }
0x54: {  	_ =	shalt  }
0x55: {  	_ =	shalt  }
0x56: {  	_ =	shalt  }
0x57: {  	_ =	shalt  }
0x58: {  	_ =	shalt  }
0x59: {  	_ =	shalt  }
0x5a: {  	_ =	shalt  }
0x5b: {  	_ =	shalt  }
0x5c: {  	_ =	shalt  }
0x5d: {  	_ =	shalt  }
0x5e: {  	_ =	shalt  }
0x5f: {  	_ =	shalt  }
0x60: {  	_ =	shalt  }
0x61: {  	_ =	shalt  }
0x62: {  	_ =	shalt  }
0x63: {  	_ =	shalt  }
0x64: {  	_ =	shalt  }
0x65: {  	_ =	shalt  }
0x66: {  	_ =	shalt  }
0x67: {  	_ =	shalt  }
0x68: {  	_ =	shalt  }
0x69: {  	_ =	shalt  }
0x6a: {  	_ =	shalt  }
0x6b: {  	_ =	shalt  }
0x6c: {  	_ =	shalt  }
0x6d: {  	_ =	shalt  }
0x6e: {  	_ =	shalt  }
0x6f: {  	_ =	shalt  }
0x70: {  	_ =	shalt  }
0x71: {  	_ =	shalt  }
0x72: {  	_ =	shalt  }
0x73: {  	_ =	shalt  }
0x74: {  	_ =	shalt  }
0x75: {  	_ =	shalt  }
0x76: {  	_ =	shalt  }
0x77: {  	_ =	shalt  }
0x78: {  	_ =	shalt  }
0x79: {  	_ =	shalt  }
0x7a: {  	_ =	shalt  }
0x7b: {  	_ =	shalt  }
0x7c: {  	_ =	shalt  }
0x7d: {  	_ =	shalt  }
0x7e: {  	_ =	shalt  }
0x7f: {  	_ =	shalt  }
0x80: {  	_ =	shalt  }
0x81: {  	_ =	shalt  }
0x82: {  	_ =	shalt  }
0x83: {  	_ =	shalt  }
0x84: {  	_ =	shalt  }
0x85: {  	_ =	shalt  }
0x86: {  	_ =	shalt  }
0x87: {  	_ =	shalt  }
.Lfunc_end0:
.L_simem_size_0:
called_computation_lowered:
.L_overlay_start_0:
0x88: {  	s2 =	sld [smem:$0x3FD9]  }
0x89: {  	s3 =	sld [smem:$0x3FFE];
	_ =	sdelay $0x1  }
0x8a: {  	s1 =	srdreg.scid  }
0x8b: {  	s0 =	sand.u32 $0x1, s1  }
0x8c: {  	s14 =	sshll.u32 s0, $0xA;
	s2 =	sadd.s32 s3, s2  }
0x8d: {  	s2 =	sadd.s32 s2, s14  }
0x8e: {  	[smem:$0x3FC0] =	sst s2  }
0x8f: {  	_ = 	snop  }
0x90: {  	s2 =	sld [smem:$0x3FD0];
	_ =	sdelay $0x2  }
0x91: {  	s15 =	simm.s32 $0xA;
	s4 =	simm.s32 $0x10  }
0x92: {  	[smem:s4], [sflag:s15] =	dma.local [hbm:s2], $0x1  }
0x93: {  	_ =	swait.eq [sflag:s15], $0x1  }
0x94: {  	[sflag:s15] =	ssyncset.done $0x0  }
0x95: {  	s16 =	sld [smem:$0x10];
	[sflag:s15] =	ssyncadd.s32 $0xFFFFFFFF  }
0x96: {  	s17 =	sld [smem:$0x11];
	(tm) =	ssettm $0x1  }
0x97: {  	s18 =	sld [smem:$0x3FFB];
	_ =	sdelay $0x3  }
0x98: {  	_ =	strace s18  }
0x99: {  	s4 =	sld [smem:$0x3FFC];
	_ =	sdelay $0x3  }
0x9a: {  	_ =	strace s4  }
0x9b: {  	s4 =	sld [smem:$0x3FFD];
	_ =	sdelay $0x3  }
0x9c: {  	_ =	strace s4  }
0x9d: {  	_ =	strace $0x8FFFFFFF  }
0x9e: {  	s19 =	sld [smem:$0x3FDB];
	_ =	sdelay $0x1  }
0x9f: {  	s5 =	simm.s32 $_scs_section_size  }
0xa0: {  	s6 =	simm.s32 $_size__tile_overlayer_lowered;
	s7 =	simm.s32 $_tile_overlayer_lowered  }
0xa1: {  	s22 =	simm.s32 $0x1BFF;
	s21 =	sshll.u32 s7, $0x1;
	s4 =	sadd.s32 s5, s19  }
0xa2: {  	s8 =	simm.s32 $0x0;
	s20 =	sshll.u32 s6, $0x1;
	s6 =	sadd.s32 s21, s4  }
0xa3: {  	[timem:s8], [sflag:s22] =	dma.local [hbm:s6], s20  }
0xa4: {  	_ =	swait.ge [sflag:s22], s20  }
0xa5: {  	s5 =	ssub.s32 $0x0, s20;
	[sflag:s22] =	ssyncset.done $0x0  }
0xa6: {  	[sflag:s22] =	ssyncadd.s32 s5;
	_ =	sdelay $0x1  }
0xa7: {  	s23 =	simm.s32 $0x1B8B  }
0xa8: {  	_ =	swait.ge [sflag:s23], $0x1  }
0xa9: {  	[sflag:s23] =	ssyncset.done $0x0  }
0xaa: {  	s25 =	simm.s32 $0x1B8E;
	s24 =	sld [smem:$0x3FFE];
	[sflag:s23] =	ssyncadd.s32 $0xFFFFFFFF  }
0xab: {  	s26 =	simm.s32 $execute0_lowered;
	[smem:$0x3FD2] =	sst s25  }
0xac: {  	s6 =	sshll.u32 s26, $0x1;
	_ =	strace $0x80000046;
	[dreg:$0x1] =	wrdreg $0xFFFFFFFF  }
0xad: {  	s28 =	simm.s32 $_size_execute0_lowered;
	s4 =	sadd.s32 s4, s6;
	[dreg:$0x0] =	wrdreg $0x0  }
0xae: {  	s6 =	sshll.u32 s28, $0x1;
	[dreg:$0x2] =	wrdreg s4  }
0xaf: {  	[dreg:$0x3] =	wrdreg s6  }
0xb0: {  	[dreg:$0x4] =	wrdreg $0xC0  }
0xb1: {  	_ =	task [dreg:s8], $0x5FFFF  }
0xb2: {  	[dreg:$0x1] =	wrdreg $0xFFFFFFFF  }
0xb3: {  	[dreg:$0x0] =	wrdreg $0x60  }
0xb4: {  	[dreg:$0x2] =	wrdreg s17  }
0xb5: {  	[dreg:$0x3] =	wrdreg s16  }
0xb6: {  	[dreg:$0x4] =	wrdreg s24  }
0xb7: {  	[dreg:$0x5] =	wrdreg $0x0  }
0xb8: {  	[dreg:$0x6] =	wrdreg $0xA0000  }
0xb9: {  	[dreg:$0x7] =	wrdreg $0x9  }
0xba: {  	_ =	task.clear_ibuf [dreg:s8], $0x8FFFF;
	_ =	strace $0x90000046  }
0xbb: {  	s29 =	simm.s32 $0x9;
	_ =	strace $0x80000048  }
0xbc: {  	_ =	swait.ge [sflag:s29], $0x1  }
0xbd: {  	[sflag:s29] =	ssyncadd.s32 $0xFFFFFFFF  }
0xbe: {  	_ =	strace $0x90000048  }
0xbf: {  	_ =	sfence  }
0xc0: {  	s30 =	sld [smem:$0x0];
	_ =	sdelay $0x2  }
0xc1: {  	s31 =	sshll.u32 s1, $0xD;
	s1 =	sshrl.u32 s1, $0x2  }
0xc2: {  	s3 =	sand.u32 $0x4000, s31;
	s1 =	sadd.s32 s1, s30  }
0xc3: {  	s0 =	sor.u32 s3, s0;
	s1 =	sshll.u32 s1, $0x11  }
0xc4: {  	s0 =	sor.u32 s1, s0  }
0xc5: {  	s0 =	sadd.s32 $0x8F2B, s0  }
0xc6: {  	[sflag:s0] =	ssyncadd.remote.s32 $0x1  }
0xc7: {  	_ =	sfence.sel $0xFFFF  }
0xc8: {  	[dreg:$0x0] =	wrdreg $0xFFFFFFFF;
	(pc) =	sbr.abs _section_cstart, $3  }
0xc9: {  	[dreg:$0x1] =	wrdreg $0xFFFFFFFF  }
0xca: {  	_ =	task.clear_ibuf [dreg:s8], $0x2FFFF;
	_ =	strace $0x9FFFFFFF  }
0xcb: {  	(tm) =	ssettm $0x7FFFFFFF  }
tec
execute0_lowered:
.L_overlay_start_1:
0x0: {  	(tag) =	ssettag $0x1  }
0x1: {  	s1 =	rddreg [dreg:$0x0]  }
0x2: {  	s3 =	rddreg [dreg:$0x1]  }
0x3: {  	s0 =	rddreg [dreg:$0x2]  }
0x4: {  	s4 =	rddreg [dreg:$0x3]  }
0x5: {  	s5 =	rddreg [dreg:$0x4];
	s7 =	stileid.u32  }
0x6: {  	s6 =	simm.s32 $0x0;
	s9 =	srdreg.scid;
	s28 =	simm.s32 $0x14080  }
0x7: {  	s29 =	simm.s32 $0x80;
	s31 =	simm.s32 $0x1;
	s2 =	smul.u32 $0xA000, s7  }
0x8: {  	[smem:$0x7FF] =	sst s6;
	s7 =	smul.u32 $0x9D0, s7;
	s9 =	sand.u32 $0x1, s9  }
0x9: {  	s10 =	sadd.s32 $0x3DA00, s0;
	s15 =	sadd.s32 $0x52200, s0;
	_ =	strace $0x80000047  }
0xa: {  	[dreg:$0x6] =	wrdreg s10;
	s22 =	ssub.s32 $0x2, s9;
	s11 =	smul.u32 $0xA0000, s9  }
0xb: {  	s30 =	smul.u32 $0x1388, s9;
	s8 =	sshrl.u32 s2, $0x3;
	s7 =	sadd.s32 s7, s0  }
0xc: {  	s12 =	sshrl.u32 s22, $0x1;
	s23 =	sadd.s32 s2, s4;
	s8 =	sadd.s32 s8, s0  }
0xd: {  	s0 =	sadd.s32 $0xCA200, s0;
	s10 =	ssub.s32 s22, s12;
	s11 =	sadd.s32 s2, s11  }
0xe: {  	[dreg:$0x7] =	wrdreg s23;
	s2 =	sadd.s32 s2, s5;
	s18 =	sadd.s32 $0x2A00, s7  }
0xf: {  	s19 =	sadd.s32 $0x20200, s7;
	s20 =	sadd.s32 $0xC700, s7;
	s21 =	sadd.s32 $0x29F00, s7  }
0x10: {  	s22 =	sadd.s32 $0x16400, s7;
	s23 =	sadd.s32 $0x33C00, s7;
	v0 =	vmov s30;
	s30 =	simm.s32 $0x14100  }
0x11: {  	s9 =	sadd.s32 $0x3E200, s8;
	s24 =	sshrl.u32 s11, $0x3;
	[dreg:$0x8] =	wrdreg s2  }
0x12: {  	s17 =	smax.u32 s10, $0x1;
	s25 =	sadd.s32 s15, s24;
	s26 =	sadd.s32 $0x28000, s24  }
0x13: {  	s11 =	sadd.s32 s0, s24;
	s8 =	sadd.s32 $0x50000, s24;
	[dreg:$0x9] =	wrdreg s25  }
0x14: {  	s24 =	simm.s32 $0x18100;
	[dreg:$0xa] =	wrdreg s11;
	s13 =	sadd.s32 s15, s26  }
0x15: {  	s14 =	sadd.s32 s0, s26;
	s15 =	sadd.s32 s15, s8;
	s16 =	sadd.s32 s0, s8  }
0x16: {  	s25 =	simm.s32 $0x2;
	s26 =	simm.s32 $0x14000;
	s0 =	simm.s32 $0x0  }
.LBB2_1:
0x17: {  	s2 =	rddreg [dreg:$0x6]  }
0x18: {  	[tilespmem:s24], [sflag:$0x2] =	stream.linear.gather [hbm4b:s2+s6], $0x4000, $0x38;
	[tilespmem:$0x1C100] =	vst v63  }
0x19: {  	s11 =	stileid.u32;
	_ =	swait.ge [sflag:s25], $0x4000  }
0x1a: {  	s2 =	sshll.u32 s11, $0x6;
	[sflag:s25] =	ssyncset.done $0x0;
	s7 =	rddreg [dreg:$0x7]  }
0x1b: {  	s2 =	sor.u32 $0x1C02, s2;
	[sflag:s25] =	ssyncadd.s32 $0xFFFFC000;
	s7 =	sshrl.u32 s7, $0x3  }
0x1c: {  	[spmem:s7], [sflag:s2] =	dma.local [hbm:s9], $0x1400  }
0x1d: {  	_ =	swait.ge [sflag:s25], $0x1400  }
0x1e: {  	[sflag:s25] =	ssyncset.done $0x0;
	s8 =	rddreg [dreg:$0x8]  }
0x1f: {  	[sflag:s25] =	ssyncadd.s32 $0xFFFFEC00;
	s8 =	sshrl.u32 s8, $0x3  }
0x20: {  	[spmem:s8], [sflag:s2] =	dma.local [hbm:s9], $0x1400  }
0x21: {  	_ =	swait.ge [sflag:s25], $0x1400  }
0x22: {  	[sflag:s25] =	ssyncset.done $0x0  }
0x23: {  	[sflag:s25] =	ssyncadd.s32 $0xFFFFEC00  }
0x24: {  	s10 =	sadd.s32 $0x0, s19;
	[bflag:$0x0] =	sbarrier.arrive $0xFFFF  }
0x25: {  	[tilespmem:s26], [sflag:$0x2] =	stream.linear.gather [hbm4b:s10+s6], $0x80, $0x38;
	[tilespmem:$0x1C100] =	vst v63  }
0x26: {  	_ =	swait.ge [sflag:s25], $0x80  }
0x27: {  	[sflag:s25] =	ssyncset.done $0x0  }
0x28: {  	s12 =	sadd.s32 $0x0, s18;
	[sflag:s25] =	ssyncadd.s32 $0xFFFFFF80  }
0x29: {  	[tilespmem:s28], [sflag:$0x2] =	stream.linear.gather [hbm4b:s12+s6], $0x80, $0x38;
	[tilespmem:$0x1C100] =	vst v63  }
0x2a: {  	_ =	swait.ge [sflag:s25], $0x80  }
0x2b: {  	[sflag:s25] =	ssyncset.done $0x0  }
0x2c: {  	[sflag:s25] =	ssyncadd.s32 $0xFFFFFF80  }
0x2d: {  	[tilespmem:s30], [sflag:$0x1] =	stream.indirect.gather [hbm4b:s1+s29], $0x80, s26, s29, $0xb8;
	[tilespmem:$0x1C100] =	vst v63  }
0x2e: {  	v1 =	vld [tilespmem:$0x140D0]  }
0x2f: {  	v2 =	vld [tilespmem:$0x140C0]  }
0x30: {  	v3 =	vld [tilespmem:$0x140B0]  }
0x31: {  	v4 =	vld [tilespmem:$0x140A0]  }
0x32: {  	v5 =	vld [tilespmem:$0x14090]  }
0x33: {  	v6 =	vld [tilespmem:$0x14080];
	v1 =	vsub.s32 v1, v0  }
0x34: {  	v7 =	vld [tilespmem:$0x140E0];
	v2 =	vsub.s32 v2, v0;
	v1 =	vmin.u32 v1, $0x1388  }
0x35: {  	v8 =	vld [tilespmem:$0x140F0];
	v3 =	vsub.s32 v3, v0;
	v2 =	vmin.u32 v2, $0x1388;
	[tilespmem:$0x140D0] =	vst v1  }
0x36: {  	v3 =	vmin.u32 v3, $0x1388;
	v1 =	vsub.s32 v4, v0;
	[tilespmem:$0x140C0] =	vst v2  }
0x37: {  	v2 =	vsub.s32 v5, v0;
	[tilespmem:$0x140B0] =	vst v3;
	v1 =	vmin.u32 v1, $0x1388  }
0x38: {  	v3 =	vsub.s32 v6, v0;
	v2 =	vmin.u32 v2, $0x1388;
	[tilespmem:$0x140A0] =	vst v1  }
0x39: {  	v1 =	vmin.u32 v3, $0x1388;
	[tilespmem:$0x14090] =	vst v2;
	v2 =	vsub.s32 v7, v0  }
0x3a: {  	s10 =	simm.s32 $0x10;
	[tilespmem:$0x14080] =	vst v1;
	v1 =	vmin.u32 v2, $0x1388;
	v2 =	vsub.s32 v8, v0  }
.LBB2_2:
0x3b: {  	p0 =	sne.s32 s10, $0x9C0;
	[tilespmem:$0x140E0] =	vst v1;
	v1 =	vmin.u32 v2, $0x1388;
	s11 =	smov.u32 s10;
	s10 =	sadd.s32 $0x10, s10  }
0x3c: {  	[tilespmem:$0x140F0] =	vst v1  }
0x3d: {  	_ =	swait.ge [sflag:s31], $0x4000  }
0x3e: {  	[sflag:s31] =	ssyncset.done $0x0  }
0x3f: {  	[sflag:s31] =	ssyncadd.s32 $0xFFFFC000  }
0x40: {  	[spmem:s4] =	stream.indirect.scatter.add.f32 [tilespmem:s30], [sflag:$0x2], $0x80, s28, s29, $0xb8;
	[tilespmem:$0x1C100] =	vst v63  }
0x41: {  	_ =	swait.ge [sflag:s25], $0x4000  }
0x42: {  	[sflag:s25] =	ssyncset.done $0x0  }
0x43: {  	[sflag:s25] =	ssyncadd.s32 $0xFFFFC000  }
0x44: {  	[spmem:s5] =	stream.indirect.scatter.add.f32 [tilespmem:s24], [sflag:$0x2], $0x80, s28, s29, $0xb8;
	[tilespmem:$0x1C100] =	vst v63  }
0x45: {  	_ =	swait.ge [sflag:s25], $0x4000  }
0x46: {  	[sflag:s25] =	ssyncset.done $0x0  }
0x47: {  	s12 =	sadd.s32 s11, s19;
	[sflag:s25] =	ssyncadd.s32 $0xFFFFC000  }
0x48: {  	[tilespmem:s26], [sflag:$0x2] =	stream.linear.gather [hbm4b:s12+s6], $0x80, $0x38;
	[tilespmem:$0x1C100] =	vst v63  }
0x49: {  	_ =	swait.ge [sflag:s25], $0x80  }
0x4a: {  	[sflag:s25] =	ssyncset.done $0x0  }
0x4b: {  	s11 =	sadd.s32 s11, s18;
	[sflag:s25] =	ssyncadd.s32 $0xFFFFFF80  }
0x4c: {  	[tilespmem:s28], [sflag:$0x2] =	stream.linear.gather [hbm4b:s11+s6], $0x80, $0x38;
	[tilespmem:$0x1C100] =	vst v63  }
0x4d: {  	_ =	swait.ge [sflag:s25], $0x80  }
0x4e: {  	[sflag:s25] =	ssyncset.done $0x0  }
0x4f: {  	[sflag:s25] =	ssyncadd.s32 $0xFFFFFF80  }
0x50: {  	[tilespmem:s30], [sflag:$0x1] =	stream.indirect.gather [hbm4b:s1+s29], $0x80, s26, s29, $0xb8;
	[tilespmem:$0x1C100] =	vst v63  }
0x51: {  	v1 =	vld [tilespmem:$0x140D0]  }
0x52: {  	v2 =	vld [tilespmem:$0x140C0]  }
0x53: {  	v3 =	vld [tilespmem:$0x140B0]  }
0x54: {  	v4 =	vld [tilespmem:$0x140A0]  }
0x55: {  	v5 =	vld [tilespmem:$0x14090]  }
0x56: {  	v6 =	vld [tilespmem:$0x14080];
	v1 =	vsub.s32 v1, v0  }
0x57: {  	v2 =	vsub.s32 v2, v0;
	v1 =	vmin.u32 v1, $0x1388;
	v7 =	vld [tilespmem:$0x140E0]  }
0x58: {  	v3 =	vsub.s32 v3, v0;
	v2 =	vmin.u32 v2, $0x1388;
	[tilespmem:$0x140D0] =	vst v1;
	v8 =	vld [tilespmem:$0x140F0]  }
.Ltmp0:
0x59: {  	v1 =	vsub.s32 v4, v0;
	v3 =	vmin.u32 v3, $0x1388;
	[tilespmem:$0x140C0] =	vst v2;
	(pc) =	sbr.rel @p0 .LBB2_2-.Ltmp0, $4  }
0x5a: {  	v2 =	vsub.s32 v5, v0;
	v1 =	vmin.u32 v1, $0x1388;
	[tilespmem:$0x140B0] =	vst v3  }
0x5b: {  	v3 =	vsub.s32 v6, v0;
	v2 =	vmin.u32 v2, $0x1388;
	[tilespmem:$0x140A0] =	vst v1  }
0x5c: {  	v1 =	vmin.u32 v3, $0x1388;
	[tilespmem:$0x14090] =	vst v2;
	v2 =	vsub.s32 v7, v0  }
0x5d: {  	[tilespmem:$0x14080] =	vst v1;
	v1 =	vmin.u32 v2, $0x1388;
	v2 =	vsub.s32 v8, v0  }
0x5e: {  	[tilespmem:$0x140E0] =	vst v1;
	v1 =	vmin.u32 v2, $0x1388  }
0x5f: {  	[tilespmem:$0x140F0] =	vst v1  }
0x60: {  	_ =	swait.ge [sflag:s31], $0x4000  }
0x61: {  	[sflag:s31] =	ssyncset.done $0x0  }
0x62: {  	[sflag:s31] =	ssyncadd.s32 $0xFFFFC000  }
0x63: {  	[spmem:s4] =	stream.indirect.scatter.add.f32 [tilespmem:s30], [sflag:$0x2], $0x80, s28, s29, $0xb8;
	[tilespmem:$0x1C100] =	vst v63  }
0x64: {  	_ =	swait.ge [sflag:s25], $0x4000  }
0x65: {  	[sflag:s25] =	ssyncset.done $0x0  }
0x66: {  	[sflag:s25] =	ssyncadd.s32 $0xFFFFC000  }
0x67: {  	[spmem:s5] =	stream.indirect.scatter.add.f32 [tilespmem:s24], [sflag:$0x2], $0x80, s28, s29, $0xb8;
	[tilespmem:$0x1C100] =	vst v63  }
0x68: {  	_ =	swait.ge [sflag:s25], $0x4000  }
0x69: {  	[sflag:s25] =	ssyncset.done $0x0  }
0x6a: {  	[sflag:s25] =	ssyncadd.s32 $0xFFFFC000  }
0x6b: {  	[bflag:$0x0] =	sbarrier.arrive $0xFFFF  }
0x6c: {  	s10 =	rddreg [dreg:$0x9]  }
0x6d: {  	[hbm:s10], [sflag:s2] =	dma.local [spmem:s7], $0x1400  }
0x6e: {  	_ =	swait.ge [sflag:s25], $0x1400  }
0x6f: {  	[sflag:s25] =	ssyncset.done $0x0  }
0x70: {  	s12 =	rddreg [dreg:$0xa];
	[sflag:s25] =	ssyncadd.s32 $0xFFFFEC00  }
0x71: {  	[hbm:s12], [sflag:s2] =	dma.local [spmem:s8], $0x1400  }
0x72: {  	_ =	swait.ge [sflag:s25], $0x1400  }
0x73: {  	[sflag:s25] =	ssyncset.done $0x0  }
0x74: {  	[sflag:s25] =	ssyncadd.s32 $0xFFFFEC00  }
0x75: {  	[spmem:s7], [sflag:s2] =	dma.local [hbm:s9], $0x1400  }
0x76: {  	_ =	swait.ge [sflag:s25], $0x1400  }
0x77: {  	[sflag:s25] =	ssyncset.done $0x0  }
0x78: {  	[sflag:s25] =	ssyncadd.s32 $0xFFFFEC00  }
0x79: {  	[spmem:s8], [sflag:s2] =	dma.local [hbm:s9], $0x1400  }
0x7a: {  	_ =	swait.ge [sflag:s25], $0x1400  }
0x7b: {  	[sflag:s25] =	ssyncset.done $0x0  }
0x7c: {  	[sflag:s25] =	ssyncadd.s32 $0xFFFFEC00  }
0x7d: {  	s11 =	sadd.s32 $0x0, s21;
	[bflag:$0x0] =	sbarrier.arrive $0xFFFF  }
0x7e: {  	[tilespmem:s26], [sflag:$0x2] =	stream.linear.gather [hbm4b:s11+s6], $0x80, $0x38;
	[tilespmem:$0x1C100] =	vst v63  }
0x7f: {  	_ =	swait.ge [sflag:s25], $0x80  }
0x80: {  	[sflag:s25] =	ssyncset.done $0x0  }
0x81: {  	s12 =	sadd.s32 $0x0, s20;
	[sflag:s25] =	ssyncadd.s32 $0xFFFFFF80  }
0x82: {  	[tilespmem:s28], [sflag:$0x2] =	stream.linear.gather [hbm4b:s12+s6], $0x80, $0x38;
	[tilespmem:$0x1C100] =	vst v63  }
0x83: {  	_ =	swait.ge [sflag:s25], $0x80  }
0x84: {  	[sflag:s25] =	ssyncset.done $0x0  }
0x85: {  	[sflag:s25] =	ssyncadd.s32 $0xFFFFFF80  }
0x86: {  	[tilespmem:s30], [sflag:$0x1] =	stream.indirect.gather [hbm4b:s1+s29], $0x80, s26, s29, $0xb8;
	[tilespmem:$0x1C100] =	vst v63  }
0x87: {  	v1 =	vld [tilespmem:$0x140D0]  }
0x88: {  	v2 =	vld [tilespmem:$0x140C0]  }
0x89: {  	v3 =	vld [tilespmem:$0x140B0]  }
0x8a: {  	v4 =	vld [tilespmem:$0x140A0]  }
0x8b: {  	v5 =	vld [tilespmem:$0x14090]  }
0x8c: {  	v6 =	vld [tilespmem:$0x14080];
	v1 =	vsub.s32 v1, v0  }
0x8d: {  	v7 =	vld [tilespmem:$0x140E0];
	v2 =	vsub.s32 v2, v0;
	v1 =	vmin.u32 v1, $0x1388  }
0x8e: {  	v8 =	vld [tilespmem:$0x140F0];
	v3 =	vsub.s32 v3, v0;
	v2 =	vmin.u32 v2, $0x1388;
	[tilespmem:$0x140D0] =	vst v1  }
0x8f: {  	v3 =	vmin.u32 v3, $0x1388;
	v1 =	vsub.s32 v4, v0;
	[tilespmem:$0x140C0] =	vst v2  }
0x90: {  	v2 =	vsub.s32 v5, v0;
	[tilespmem:$0x140B0] =	vst v3;
	v1 =	vmin.u32 v1, $0x1388  }
0x91: {  	v3 =	vsub.s32 v6, v0;
	v2 =	vmin.u32 v2, $0x1388;
	[tilespmem:$0x140A0] =	vst v1  }
0x92: {  	v1 =	vmin.u32 v3, $0x1388;
	[tilespmem:$0x14090] =	vst v2;
	v2 =	vsub.s32 v7, v0  }
0x93: {  	s10 =	simm.s32 $0x10;
	[tilespmem:$0x14080] =	vst v1;
	v1 =	vmin.u32 v2, $0x1388;
	v2 =	vsub.s32 v8, v0  }
.LBB2_4:
0x94: {  	p0 =	sne.s32 s10, $0x9C0;
	[tilespmem:$0x140E0] =	vst v1;
	v1 =	vmin.u32 v2, $0x1388;
	s11 =	smov.u32 s10;
	s10 =	sadd.s32 $0x10, s10  }
0x95: {  	[tilespmem:$0x140F0] =	vst v1  }
0x96: {  	_ =	swait.ge [sflag:s31], $0x4000  }
0x97: {  	[sflag:s31] =	ssyncset.done $0x0  }
0x98: {  	[sflag:s31] =	ssyncadd.s32 $0xFFFFC000  }
0x99: {  	[spmem:s4] =	stream.indirect.scatter.add.f32 [tilespmem:s30], [sflag:$0x2], $0x80, s28, s29, $0xb8;
	[tilespmem:$0x1C100] =	vst v63  }
0x9a: {  	_ =	swait.ge [sflag:s25], $0x4000  }
0x9b: {  	[sflag:s25] =	ssyncset.done $0x0  }
0x9c: {  	[sflag:s25] =	ssyncadd.s32 $0xFFFFC000  }
0x9d: {  	[spmem:s5] =	stream.indirect.scatter.add.f32 [tilespmem:s24], [sflag:$0x2], $0x80, s28, s29, $0xb8;
	[tilespmem:$0x1C100] =	vst v63  }
0x9e: {  	_ =	swait.ge [sflag:s25], $0x4000  }
0x9f: {  	[sflag:s25] =	ssyncset.done $0x0  }
0xa0: {  	s12 =	sadd.s32 s11, s21;
	[sflag:s25] =	ssyncadd.s32 $0xFFFFC000  }
0xa1: {  	[tilespmem:s26], [sflag:$0x2] =	stream.linear.gather [hbm4b:s12+s6], $0x80, $0x38;
	[tilespmem:$0x1C100] =	vst v63  }
0xa2: {  	_ =	swait.ge [sflag:s25], $0x80  }
0xa3: {  	[sflag:s25] =	ssyncset.done $0x0  }
0xa4: {  	s11 =	sadd.s32 s11, s20;
	[sflag:s25] =	ssyncadd.s32 $0xFFFFFF80  }
0xa5: {  	[tilespmem:s28], [sflag:$0x2] =	stream.linear.gather [hbm4b:s11+s6], $0x80, $0x38;
	[tilespmem:$0x1C100] =	vst v63  }
0xa6: {  	_ =	swait.ge [sflag:s25], $0x80  }
0xa7: {  	[sflag:s25] =	ssyncset.done $0x0  }
0xa8: {  	[sflag:s25] =	ssyncadd.s32 $0xFFFFFF80  }
0xa9: {  	[tilespmem:s30], [sflag:$0x1] =	stream.indirect.gather [hbm4b:s1+s29], $0x80, s26, s29, $0xb8;
	[tilespmem:$0x1C100] =	vst v63  }
0xaa: {  	v1 =	vld [tilespmem:$0x140D0]  }
0xab: {  	v2 =	vld [tilespmem:$0x140C0]  }
0xac: {  	v3 =	vld [tilespmem:$0x140B0]  }
0xad: {  	v4 =	vld [tilespmem:$0x140A0]  }
0xae: {  	v5 =	vld [tilespmem:$0x14090]  }
0xaf: {  	v6 =	vld [tilespmem:$0x14080];
	v1 =	vsub.s32 v1, v0  }
0xb0: {  	v2 =	vsub.s32 v2, v0;
	v1 =	vmin.u32 v1, $0x1388;
	v7 =	vld [tilespmem:$0x140E0]  }
0xb1: {  	v3 =	vsub.s32 v3, v0;
	v2 =	vmin.u32 v2, $0x1388;
	[tilespmem:$0x140D0] =	vst v1;
	v8 =	vld [tilespmem:$0x140F0]  }
.Ltmp1:
0xb2: {  	v1 =	vsub.s32 v4, v0;
	v3 =	vmin.u32 v3, $0x1388;
	[tilespmem:$0x140C0] =	vst v2;
	(pc) =	sbr.rel @p0 .LBB2_4-.Ltmp1, $4  }
0xb3: {  	v2 =	vsub.s32 v5, v0;
	v1 =	vmin.u32 v1, $0x1388;
	[tilespmem:$0x140B0] =	vst v3  }
0xb4: {  	v3 =	vsub.s32 v6, v0;
	v2 =	vmin.u32 v2, $0x1388;
	[tilespmem:$0x140A0] =	vst v1  }
0xb5: {  	v1 =	vmin.u32 v3, $0x1388;
	[tilespmem:$0x14090] =	vst v2;
	v2 =	vsub.s32 v7, v0  }
0xb6: {  	[tilespmem:$0x14080] =	vst v1;
	v1 =	vmin.u32 v2, $0x1388;
	v2 =	vsub.s32 v8, v0  }
0xb7: {  	[tilespmem:$0x140E0] =	vst v1;
	v1 =	vmin.u32 v2, $0x1388  }
0xb8: {  	[tilespmem:$0x140F0] =	vst v1  }
0xb9: {  	_ =	swait.ge [sflag:s31], $0x4000  }
0xba: {  	[sflag:s31] =	ssyncset.done $0x0  }
0xbb: {  	[sflag:s31] =	ssyncadd.s32 $0xFFFFC000  }
0xbc: {  	[spmem:s4] =	stream.indirect.scatter.add.f32 [tilespmem:s30], [sflag:$0x2], $0x80, s28, s29, $0xb8;
	[tilespmem:$0x1C100] =	vst v63  }
0xbd: {  	_ =	swait.ge [sflag:s25], $0x4000  }
0xbe: {  	[sflag:s25] =	ssyncset.done $0x0  }
0xbf: {  	[sflag:s25] =	ssyncadd.s32 $0xFFFFC000  }
0xc0: {  	[spmem:s5] =	stream.indirect.scatter.add.f32 [tilespmem:s24], [sflag:$0x2], $0x80, s28, s29, $0xb8;
	[tilespmem:$0x1C100] =	vst v63  }
0xc1: {  	_ =	swait.ge [sflag:s25], $0x4000  }
0xc2: {  	[sflag:s25] =	ssyncset.done $0x0  }
0xc3: {  	[sflag:s25] =	ssyncadd.s32 $0xFFFFC000  }
0xc4: {  	[bflag:$0x0] =	sbarrier.arrive $0xFFFF  }
0xc5: {  	[hbm:s13], [sflag:s2] =	dma.local [spmem:s7], $0x1400  }
0xc6: {  	_ =	swait.ge [sflag:s25], $0x1400  }
0xc7: {  	[sflag:s25] =	ssyncset.done $0x0  }
0xc8: {  	[sflag:s25] =	ssyncadd.s32 $0xFFFFEC00  }
0xc9: {  	[hbm:s14], [sflag:s2] =	dma.local [spmem:s8], $0x1400  }
0xca: {  	_ =	swait.ge [sflag:s25], $0x1400  }
0xcb: {  	[sflag:s25] =	ssyncset.done $0x0  }
0xcc: {  	[sflag:s25] =	ssyncadd.s32 $0xFFFFEC00  }
0xcd: {  	[spmem:s7], [sflag:s2] =	dma.local [hbm:s9], $0x1400  }
0xce: {  	_ =	swait.ge [sflag:s25], $0x1400  }
0xcf: {  	[sflag:s25] =	ssyncset.done $0x0  }
0xd0: {  	[sflag:s25] =	ssyncadd.s32 $0xFFFFEC00  }
0xd1: {  	[spmem:s8], [sflag:s2] =	dma.local [hbm:s9], $0x1400  }
0xd2: {  	_ =	swait.ge [sflag:s25], $0x1400  }
0xd3: {  	[sflag:s25] =	ssyncset.done $0x0  }
0xd4: {  	[sflag:s25] =	ssyncadd.s32 $0xFFFFEC00  }
0xd5: {  	s10 =	sadd.s32 $0x0, s23;
	[bflag:$0x0] =	sbarrier.arrive $0xFFFF  }
0xd6: {  	[tilespmem:s26], [sflag:$0x2] =	stream.linear.gather [hbm4b:s10+s6], $0x80, $0x38;
	[tilespmem:$0x1C100] =	vst v63  }
0xd7: {  	_ =	swait.ge [sflag:s25], $0x80  }
0xd8: {  	[sflag:s25] =	ssyncset.done $0x0  }
0xd9: {  	s12 =	sadd.s32 $0x0, s22;
	[sflag:s25] =	ssyncadd.s32 $0xFFFFFF80  }
0xda: {  	[tilespmem:s28], [sflag:$0x2] =	stream.linear.gather [hbm4b:s12+s6], $0x80, $0x38;
	[tilespmem:$0x1C100] =	vst v63  }
0xdb: {  	_ =	swait.ge [sflag:s25], $0x80  }
0xdc: {  	[sflag:s25] =	ssyncset.done $0x0  }
0xdd: {  	[sflag:s25] =	ssyncadd.s32 $0xFFFFFF80  }
0xde: {  	[tilespmem:s30], [sflag:$0x1] =	stream.indirect.gather [hbm4b:s3+s29], $0x80, s26, s29, $0xb8;
	[tilespmem:$0x1C100] =	vst v63  }
0xdf: {  	v1 =	vld [tilespmem:$0x140D0]  }
0xe0: {  	v2 =	vld [tilespmem:$0x140C0]  }
0xe1: {  	v3 =	vld [tilespmem:$0x140B0]  }
0xe2: {  	v4 =	vld [tilespmem:$0x140A0]  }
0xe3: {  	v5 =	vld [tilespmem:$0x14090]  }
0xe4: {  	v6 =	vld [tilespmem:$0x14080];
	v1 =	vsub.s32 v1, v0  }
0xe5: {  	v7 =	vld [tilespmem:$0x140E0];
	v2 =	vsub.s32 v2, v0;
	v1 =	vmin.u32 v1, $0x1388  }
0xe6: {  	v8 =	vld [tilespmem:$0x140F0];
	v3 =	vsub.s32 v3, v0;
	v2 =	vmin.u32 v2, $0x1388;
	[tilespmem:$0x140D0] =	vst v1  }
0xe7: {  	v3 =	vmin.u32 v3, $0x1388;
	v1 =	vsub.s32 v4, v0;
	[tilespmem:$0x140C0] =	vst v2  }
0xe8: {  	v2 =	vsub.s32 v5, v0;
	[tilespmem:$0x140B0] =	vst v3;
	v1 =	vmin.u32 v1, $0x1388  }
0xe9: {  	v3 =	vsub.s32 v6, v0;
	v2 =	vmin.u32 v2, $0x1388;
	[tilespmem:$0x140A0] =	vst v1  }
0xea: {  	v1 =	vmin.u32 v3, $0x1388;
	[tilespmem:$0x14090] =	vst v2;
	v2 =	vsub.s32 v7, v0  }
0xeb: {  	s10 =	simm.s32 $0x10;
	[tilespmem:$0x14080] =	vst v1;
	v1 =	vmin.u32 v2, $0x1388;
	v2 =	vsub.s32 v8, v0  }
.LBB2_6:
0xec: {  	p0 =	sne.s32 s10, $0x9C0;
	[tilespmem:$0x140E0] =	vst v1;
	v1 =	vmin.u32 v2, $0x1388;
	s11 =	smov.u32 s10;
	s10 =	sadd.s32 $0x10, s10  }
0xed: {  	[tilespmem:$0x140F0] =	vst v1  }
0xee: {  	_ =	swait.ge [sflag:s31], $0x4000  }
0xef: {  	[sflag:s31] =	ssyncset.done $0x0  }
0xf0: {  	[sflag:s31] =	ssyncadd.s32 $0xFFFFC000  }
0xf1: {  	[spmem:s4] =	stream.indirect.scatter.add.f32 [tilespmem:s30], [sflag:$0x2], $0x80, s28, s29, $0xb8;
	[tilespmem:$0x1C100] =	vst v63  }
0xf2: {  	_ =	swait.ge [sflag:s25], $0x4000  }
0xf3: {  	[sflag:s25] =	ssyncset.done $0x0  }
0xf4: {  	[sflag:s25] =	ssyncadd.s32 $0xFFFFC000  }
0xf5: {  	[spmem:s5] =	stream.indirect.scatter.add.f32 [tilespmem:s24], [sflag:$0x2], $0x80, s28, s29, $0xb8;
	[tilespmem:$0x1C100] =	vst v63  }
0xf6: {  	_ =	swait.ge [sflag:s25], $0x4000  }
0xf7: {  	[sflag:s25] =	ssyncset.done $0x0  }
0xf8: {  	s12 =	sadd.s32 s11, s23;
	[sflag:s25] =	ssyncadd.s32 $0xFFFFC000  }
0xf9: {  	[tilespmem:s26], [sflag:$0x2] =	stream.linear.gather [hbm4b:s12+s6], $0x80, $0x38;
	[tilespmem:$0x1C100] =	vst v63  }
0xfa: {  	_ =	swait.ge [sflag:s25], $0x80  }
0xfb: {  	[sflag:s25] =	ssyncset.done $0x0  }
0xfc: {  	s11 =	sadd.s32 s11, s22;
	[sflag:s25] =	ssyncadd.s32 $0xFFFFFF80  }
0xfd: {  	[tilespmem:s28], [sflag:$0x2] =	stream.linear.gather [hbm4b:s11+s6], $0x80, $0x38;
	[tilespmem:$0x1C100] =	vst v63  }
0xfe: {  	_ =	swait.ge [sflag:s25], $0x80  }
0xff: {  	[sflag:s25] =	ssyncset.done $0x0  }
0x100: {  	[sflag:s25] =	ssyncadd.s32 $0xFFFFFF80  }
0x101: {  	[tilespmem:s30], [sflag:$0x1] =	stream.indirect.gather [hbm4b:s3+s29], $0x80, s26, s29, $0xb8;
	[tilespmem:$0x1C100] =	vst v63  }
0x102: {  	v1 =	vld [tilespmem:$0x140D0]  }
0x103: {  	v2 =	vld [tilespmem:$0x140C0]  }
0x104: {  	v3 =	vld [tilespmem:$0x140B0]  }
0x105: {  	v4 =	vld [tilespmem:$0x140A0]  }
0x106: {  	v5 =	vld [tilespmem:$0x14090]  }
0x107: {  	v6 =	vld [tilespmem:$0x14080];
	v1 =	vsub.s32 v1, v0  }
0x108: {  	v2 =	vsub.s32 v2, v0;
	v1 =	vmin.u32 v1, $0x1388;
	v7 =	vld [tilespmem:$0x140E0]  }
0x109: {  	v3 =	vsub.s32 v3, v0;
	v2 =	vmin.u32 v2, $0x1388;
	[tilespmem:$0x140D0] =	vst v1;
	v8 =	vld [tilespmem:$0x140F0]  }
.Ltmp2:
0x10a: {  	v1 =	vsub.s32 v4, v0;
	v3 =	vmin.u32 v3, $0x1388;
	[tilespmem:$0x140C0] =	vst v2;
	(pc) =	sbr.rel @p0 .LBB2_6-.Ltmp2, $4  }
0x10b: {  	v2 =	vsub.s32 v5, v0;
	v1 =	vmin.u32 v1, $0x1388;
	[tilespmem:$0x140B0] =	vst v3  }
0x10c: {  	v3 =	vsub.s32 v6, v0;
	v2 =	vmin.u32 v2, $0x1388;
	[tilespmem:$0x140A0] =	vst v1  }
0x10d: {  	v1 =	vmin.u32 v3, $0x1388;
	[tilespmem:$0x14090] =	vst v2;
	v2 =	vsub.s32 v7, v0  }
0x10e: {  	[tilespmem:$0x14080] =	vst v1;
	v1 =	vmin.u32 v2, $0x1388;
	v2 =	vsub.s32 v8, v0  }
0x10f: {  	[tilespmem:$0x140E0] =	vst v1;
	v1 =	vmin.u32 v2, $0x1388  }
0x110: {  	[tilespmem:$0x140F0] =	vst v1  }
0x111: {  	_ =	swait.ge [sflag:s31], $0x4000  }
0x112: {  	[sflag:s31] =	ssyncset.done $0x0  }
0x113: {  	[sflag:s31] =	ssyncadd.s32 $0xFFFFC000  }
0x114: {  	[spmem:s4] =	stream.indirect.scatter.add.f32 [tilespmem:s30], [sflag:$0x2], $0x80, s28, s29, $0xb8;
	[tilespmem:$0x1C100] =	vst v63  }
0x115: {  	_ =	swait.ge [sflag:s25], $0x4000  }
0x116: {  	[sflag:s25] =	ssyncset.done $0x0  }
0x117: {  	[sflag:s25] =	ssyncadd.s32 $0xFFFFC000  }
0x118: {  	[spmem:s5] =	stream.indirect.scatter.add.f32 [tilespmem:s24], [sflag:$0x2], $0x80, s28, s29, $0xb8;
	[tilespmem:$0x1C100] =	vst v63  }
0x119: {  	_ =	swait.ge [sflag:s25], $0x4000  }
0x11a: {  	[sflag:s25] =	ssyncset.done $0x0  }
0x11b: {  	[sflag:s25] =	ssyncadd.s32 $0xFFFFC000  }
0x11c: {  	[bflag:$0x0] =	sbarrier.arrive $0xFFFF  }
0x11d: {  	[hbm:s15], [sflag:s2] =	dma.local [spmem:s7], $0x1400  }
0x11e: {  	s0 =	sadd.s32 $0x1, s0;
	_ =	swait.ge [sflag:s25], $0x1400  }
0x11f: {  	p0 =	sne.s32 s0, s17;
	[sflag:s25] =	ssyncset.done $0x0  }
.Ltmp3:
0x120: {  	[sflag:s25] =	ssyncadd.s32 $0xFFFFEC00;
	(pc) =	sbr.rel @p0 .LBB2_1-.Ltmp3, $4  }
0x121: {  	[hbm:s16], [sflag:s2] =	dma.local [spmem:s8], $0x1400  }
0x122: {  	_ =	swait.ge [sflag:s25], $0x1400  }
0x123: {  	[sflag:s25] =	ssyncset.done $0x0  }
0x124: {  	[sflag:s25] =	ssyncadd.s32 $0xFFFFEC00  }
0x125: {  	_ =	sfence.sel $0x180000  }
0x126: {  	[bflag:$0x0] =	sbarrier.arrive $0xFFFF  }
0x127: {  	_ =	strace $0x90000047  }
0x128: {  	s0 =	stileid.u32;
	[bflag:$0x2] =	sbarrier.arrive $0xFFFF  }
0x129: {  	p0 =	sne.s32 s0, $0x0;
	s0 =	rddreg [dreg:$0x5]  }
0x12a: {  	s0 =	sadd.s32 @!p0 $0x100000, s0  }
0x12b: {  	[sflag:s0] =	ssyncadd.tile.s32 @!p0 $0x1;
	_ =	shalt  }
.Lfunc_end2:
_tile_overlayer_lowered:
.L_overlay_start_2:
0x12c: {  	(tag) =	ssettag $0x2  }
0x12d: {  	s0 =	rddreg [dreg:$0x0];
	s2 =	stileid.u32  }
0x12e: {  	s1 =	rddreg [dreg:$0x1];
	p0 =	sne.s32 s2, $0x0  }
0x12f: {  	s3 =	rddreg [dreg:$0x2];
	[bflag:$0x3] =	sbarrier.arrive $0xFFFF;
	s2 =	simm.s32 @!p0 $0x1C02  }
0x130: {  	[timem:s3], [sflag:s2] =	dma.local @!p0 [hbm:s0], s1  }
0x131: {  	s0 =	simm.s32 @!p0 $0x2  }
0x132: {  	_ =	swait.ge @!p0 [sflag:s0], s1  }
0x133: {  	s1 =	ssub.s32 @!p0 $0x0, s1;
	[sflag:s0] =	ssyncset.done @!p0 $0x0  }
0x134: {  	[sflag:s0] =	ssyncadd.s32 @!p0 s1  }
0x135: {  	[bflag:$0x3] =	sbarrier.arrive $0xFFFF  }
0x136: {  	_ =	shalt  }

</sc_bundles>
